<compile_context>
chip_gen: v7x
topology: tpu7x:2x2x1
jax: 0.10.2.dev20260603
libtpu: 0.0.44.dev20260713+nightly
codegen_flags: <defaults>
</compile_context>

<pallas_src>
import functools

import jax
import jax.numpy as jnp
from jax import lax
from jax.experimental import pallas as pl
from jax.experimental.pallas import tpu as pltpu
from jax.experimental.pallas import tpu_sc as plsc

NN = 10000
EE = 320000
DD = 128
NC = 2
NS = 16
NW = NC * NS
CH = 128
NCHUNK = EE // CH
ITERS = -(-NCHUNK // NW)
SROW = 624
ZR = 208
TAIL = NN - NS * SROW
DEGW = 16
RB = 400


def _sc_mesh():
    return plsc.VectorSubcoreMesh(core_axis_name="c", subcore_axis_name="s")


def _zero_acc(zerov, acc, sid):

    @pl.loop(0, SROW // ZR)
    def _(j):
        pltpu.sync_copy(zerov, acc.at[pl.ds(sid * SROW + j * ZR, ZR)])

    @pl.when(sid == NS - 1)
    def _():
        pltpu.sync_copy(zerov.at[pl.ds(0, TAIL)], acc.at[pl.ds(NS * SROW, TAIL)])


def _copy_out(acc, out_hbm, cid, sid):

    @pl.loop(0, SROW // ZR)
    def _(j):
        off = sid * SROW + j * ZR
        pltpu.sync_copy(acc.at[pl.ds(off, ZR)], out_hbm.at[cid, pl.ds(off, ZR)])

    @pl.when(sid == NS - 1)
    def _():
        off = NS * SROW
        pltpu.sync_copy(acc.at[pl.ds(off, TAIL)], out_hbm.at[cid, pl.ds(off, TAIL)])


def _sc_degree(dst_arr):

    @functools.partial(
        pl.kernel,
        out_type=jax.ShapeDtypeStruct((NC, NN, DEGW), jnp.float32),
        mesh=_sc_mesh(),
        scratch_types=[
            pltpu.VMEM((CH,), jnp.int32),
            pltpu.VMEM((CH, DEGW), jnp.float32),
            pltpu.VMEM((ZR, DEGW), jnp.float32),
            pltpu.VMEM_SHARED((NN, DEGW), jnp.float32),
        ],
    )
    def deg_kernel(dst_hbm, out_hbm, dstv, onesv, zerov, acc):
        cid = lax.axis_index("c")
        sid = lax.axis_index("s")
        wid = sid * NC + cid

        @pl.loop(0, CH)
        def _(i):
            onesv[i, :] = jnp.full((DEGW,), 1.0, jnp.float32)

        @pl.loop(0, ZR)
        def _(i):
            zerov[i, :] = jnp.zeros((DEGW,), jnp.float32)

        _zero_acc(zerov, acc, sid)
        plsc.subcore_barrier()

        @pl.loop(0, ITERS)
        def _(it):
            chunk = it * NW + wid

            @pl.when(chunk < NCHUNK)
            def _():
                pltpu.sync_copy(dst_hbm.at[pl.ds(chunk * CH, CH)], dstv)
                pltpu.sync_copy(onesv, acc.at[dstv], add=True)

        plsc.subcore_barrier()
        _copy_out(acc, out_hbm, cid, sid)

    return deg_kernel(dst_arr)


def _sc_scatter(src_arr, dst_arr, y):

    @functools.partial(
        pl.kernel,
        out_type=jax.ShapeDtypeStruct((NC, NN, DD), jnp.float32),
        mesh=_sc_mesh(),
        scratch_types=[
            pltpu.VMEM((CH,), jnp.int32),
            pltpu.VMEM((CH,), jnp.int32),
            pltpu.VMEM((CH, DD), jnp.float32),
            pltpu.VMEM((ZR, DD), jnp.float32),
            pltpu.VMEM_SHARED((NN, DD), jnp.float32),
            pltpu.SemaphoreType.DMA,
        ],
    )
    def scat_kernel(src_hbm, dst_hbm, y_hbm, out_hbm, srcv, dstv, rowsv, zerov,
                    acc, sem):
        cid = lax.axis_index("c")
        sid = lax.axis_index("s")
        wid = sid * NC + cid

        @pl.loop(0, ZR)
        def _(i):
            for j in range(DD // 16):
                zerov[i, pl.ds(j * 16, 16)] = jnp.zeros((16,), jnp.float32)

        _zero_acc(zerov, acc, sid)
        plsc.subcore_barrier()

        @pl.loop(0, ITERS)
        def _(it):
            chunk = it * NW + wid

            @pl.when(chunk < NCHUNK)
            def _():
                base = chunk * CH
                pltpu.sync_copy(src_hbm.at[pl.ds(base, CH)], srcv)
                pltpu.sync_copy(dst_hbm.at[pl.ds(base, CH)], dstv)
                pltpu.async_copy(y_hbm.at[srcv], rowsv, sem).wait()
                pltpu.sync_copy(rowsv, acc.at[dstv], add=True)

        plsc.subcore_barrier()
        _copy_out(acc, out_hbm, cid, sid)

    return scat_kernel(src_arr, dst_arr, y)


def _deg_cols(degp_blk):
    deg = degp_blk[0, :, 0:1] + degp_blk[1, :, 0:1] + 1.0
    return lax.rsqrt(deg), 1.0 / deg


def _tc_prep(x, W1, b1, degp):
    def body(xr, wr, br, dpr, yr, sr):
        dis, dinv = _deg_cols(dpr[...])
        xw = jnp.dot(xr[...], wr[...], preferred_element_type=jnp.float32)
        yr[...] = dis * xw
        sr[...] = dinv * xw + br[...]

    return pl.pallas_call(
        body,
        grid=(NN // RB,),
        in_specs=[
            pl.BlockSpec((RB, DD), lambda i: (i, 0)),
            pl.BlockSpec((DD, DD), lambda i: (0, 0)),
            pl.BlockSpec((1, DD), lambda i: (0, 0)),
            pl.BlockSpec((NC, RB, DEGW), lambda i: (0, i, 0)),
        ],
        out_specs=[
            pl.BlockSpec((RB, DD), lambda i: (i, 0)),
            pl.BlockSpec((RB, DD), lambda i: (i, 0)),
        ],
        out_shape=[
            jax.ShapeDtypeStruct((NN, DD), jnp.float32),
            jax.ShapeDtypeStruct((NN, DD), jnp.float32),
        ],
    )(x, W1, b1, degp)


def _tc_mid(p, degp, self1, W2, b2):
    def body(pr, dpr, s1r, wr, br, yr, s2r):
        dis, dinv = _deg_cols(dpr[...])
        h1 = jnp.maximum(dis * (pr[0] + pr[1]) + s1r[...], 0.0)
        xw = jnp.dot(h1, wr[...], preferred_element_type=jnp.float32)
        yr[...] = dis * xw
        s2r[...] = dinv * xw + br[...]

    return pl.pallas_call(
        body,
        grid=(NN // RB,),
        in_specs=[
            pl.BlockSpec((NC, RB, DD), lambda i: (0, i, 0)),
            pl.BlockSpec((NC, RB, DEGW), lambda i: (0, i, 0)),
            pl.BlockSpec((RB, DD), lambda i: (i, 0)),
            pl.BlockSpec((DD, DD), lambda i: (0, 0)),
            pl.BlockSpec((1, DD), lambda i: (0, 0)),
        ],
        out_specs=[
            pl.BlockSpec((RB, DD), lambda i: (i, 0)),
            pl.BlockSpec((RB, DD), lambda i: (i, 0)),
        ],
        out_shape=[
            jax.ShapeDtypeStruct((NN, DD), jnp.float32),
            jax.ShapeDtypeStruct((NN, DD), jnp.float32),
        ],
    )(p, degp, self1, W2, b2)


def _tc_final(p, degp, self2, fc1_wt, fc1_b, fc2_wt, fc2_b):
    def body(pr, dpr, s2r, w1r, b1r, w2r, b2r, hr, zr):
        dis, _ = _deg_cols(dpr[...])
        h = dis * (pr[0] + pr[1]) + s2r[...]
        hr[...] = h
        z1 = jnp.maximum(
            jnp.dot(h, w1r[...], preferred_element_type=jnp.float32) + b1r[...], 0.0)
        zr[...] = jnp.dot(z1, w2r[...], preferred_element_type=jnp.float32) + b2r[...]

    return pl.pallas_call(
        body,
        grid=(NN // RB,),
        in_specs=[
            pl.BlockSpec((NC, RB, DD), lambda i: (0, i, 0)),
            pl.BlockSpec((NC, RB, DEGW), lambda i: (0, i, 0)),
            pl.BlockSpec((RB, DD), lambda i: (i, 0)),
            pl.BlockSpec((DD, DD), lambda i: (0, 0)),
            pl.BlockSpec((1, DD), lambda i: (0, 0)),
            pl.BlockSpec((DD, DD), lambda i: (0, 0)),
            pl.BlockSpec((1, DD), lambda i: (0, 0)),
        ],
        out_specs=[
            pl.BlockSpec((RB, DD), lambda i: (i, 0)),
            pl.BlockSpec((RB, DD), lambda i: (i, 0)),
        ],
        out_shape=[
            jax.ShapeDtypeStruct((NN, DD), jnp.float32),
            jax.ShapeDtypeStruct((NN, DD), jnp.float32),
        ],
    )(p, degp, self2, fc1_wt, fc1_b, fc2_wt, fc2_b)


def kernel(x, edge_index, W1, b1, W2, b2, fc1_w, fc1_b, fc2_w, fc2_b):
    src_arr = edge_index[0]
    dst_arr = edge_index[1]
    degp = _sc_degree(dst_arr)
    y1, self1 = _tc_prep(x, W1, b1.reshape(1, DD), degp)
    p1 = _sc_scatter(src_arr, dst_arr, y1)
    y2, self2 = _tc_mid(p1, degp, self1, W2, b2.reshape(1, DD))
    p2 = _sc_scatter(src_arr, dst_arr, y2)
    h, z = _tc_final(p2, degp, self2, fc1_w.T, fc1_b.reshape(1, DD),
                     fc2_w.T, fc2_b.reshape(1, DD))
    return (h, z)

# --- scband reference (transcript-rebuilt; emitter-appended) ---
"""Pipeline reference for scband-graph-contrastive-learner-86741159510313 (READ-ONLY COPY).

The authoritative reference and input builder live on the scoring server;
editing this copy changes nothing except your own understanding.
"""

import jax, jax.numpy as jnp
import numpy as np

N = 10000
E = 320000
IN_DIM = 128
HID_DIM = 128
OUT_DIM = 128
PROJ_DIM = 128


def setup_inputs(seed: int = 0) -> dict:
    key = jax.random.key(seed)
    ks = jax.random.split(key, 12)
    x = jax.random.normal(ks[0], (N, IN_DIM), dtype=jnp.float32)
    edge_index = jax.random.randint(ks[1], (2, E), 0, N, dtype=jnp.int32)
    # GCNConv weights (PyG convention: out = A_hat @ (x @ W) + b, W: [in, out])
    W1 = jax.random.normal(ks[2], (IN_DIM, HID_DIM), dtype=jnp.float32) * (1.0 / np.sqrt(IN_DIM))
    b1 = jnp.zeros((HID_DIM,), dtype=jnp.float32)
    W2 = jax.random.normal(ks[3], (HID_DIM, OUT_DIM), dtype=jnp.float32) * (1.0 / np.sqrt(HID_DIM))
    b2 = jnp.zeros((OUT_DIM,), dtype=jnp.float32)
    # MLP head (torch Linear convention: weight [out, in])
    fc1_w = jax.random.normal(ks[4], (PROJ_DIM, OUT_DIM), dtype=jnp.float32) * (1.0 / np.sqrt(OUT_DIM))
    fc1_b = jnp.zeros((PROJ_DIM,), dtype=jnp.float32)
    fc2_w = jax.random.normal(ks[5], (PROJ_DIM, PROJ_DIM), dtype=jnp.float32) * (1.0 / np.sqrt(PROJ_DIM))
    fc2_b = jnp.zeros((PROJ_DIM,), dtype=jnp.float32)
    return {"x": x, "edge_index": edge_index, "W1": W1, "b1": b1, "W2": W2, "b2": b2,
            "fc1_w": fc1_w, "fc1_b": fc1_b, "fc2_w": fc2_w, "fc2_b": fc2_b}


def gcn_conv(x, edge_index, W, b, n_nodes):
    # PyG GCNConv: add self-loops, symmetric normalization, linear transform, scatter-add
    src = edge_index[0]
    dst = edge_index[1]
    loop = jnp.arange(n_nodes, dtype=src.dtype)
    src = jnp.concatenate([src, loop])
    dst = jnp.concatenate([dst, loop])
    deg = jnp.zeros((n_nodes,), dtype=x.dtype).at[dst].add(1.0)
    deg_inv_sqrt = jnp.where(deg > 0, deg ** -0.5, 0.0)
    norm = deg_inv_sqrt[src] * deg_inv_sqrt[dst]
    xw = x @ W
    msg = xw[src] * norm[:, None]
    out = jax.ops.segment_sum(msg, dst, num_segments=n_nodes)
    return out + b


def reference(x, edge_index, W1, b1, W2, b2, fc1_w, fc1_b, fc2_w, fc2_b):
    # GCNEncoder
    h = jax.nn.relu(gcn_conv(x, edge_index, W1, b1, N))
    h = gcn_conv(h, edge_index, W2, b2, N)
    # MLPHead projector
    z = jax.nn.relu(h @ fc1_w.T + fc1_b)
    z = z @ fc2_w.T + fc2_b
    return (h, z)

if __name__ == "__main__":
    import jax
    _d = setup_inputs()
    print(jax.jit(kernel)(*tuple(_d.values())))

</pallas_src>

<mosaic_0001>
#map = affine_map<(d0, d1) -> (0)>
#map1 = affine_map<(d0, d1) -> (0, 0, 0)>
module attributes {stable_mosaic.version = 14 : i64} {
  func.func @deg_kernel(%arg0: i32, %arg1: i32, %arg2: memref<320000xi32, #tpu.memory_space<hbm>>, %arg3: memref<2x10000x16xf32, #tpu.memory_space<hbm>>, %arg4: memref<128xi32, #tpu.memory_space<vmem>>, %arg5: memref<128x16xf32, #tpu.memory_space<vmem>>, %arg6: memref<208x16xf32, #tpu.memory_space<vmem>>, %arg7: memref<10000x16xf32, #tpu.memory_space<vmem_shared>>) attributes {dimension_semantics = [#tpu.dimension_semantics<core_parallel>, #tpu.dimension_semantics<subcore_parallel>], iteration_bounds = array<i64: 2, 16>, scalar_prefetch = 0 : i64, scratch_operands = 4 : i64, tpu.core_type = #tpu.core_type<sc_vector_subcore>, window_params = [{transform_indices = #map}, {transform_indices = #map1}]} {
    %mul3A = arith.constant 2 : i32
    %mul3A_0 = arith.muli %arg1, %mul3A : i32
    %add3A = arith.addi %mul3A_0, %arg0 : i32
    %scan3A = arith.constant 0 : i32
    %scan3A_1 = arith.constant 128 : i32
    %scan3A_2 = arith.addi %scan3A, %scan3A_1 : i32
    %scan3A_3 = arith.constant 1 : i32
    scf.for %scan3A_33 = %scan3A to %scan3A_2 step %scan3A_3  : i32 {
      %mul3A_34 = arith.constant 1 : i32
      %mul3A_35 = arith.muli %scan3A_33, %mul3A_34 : i32
      %add3A_36 = arith.constant 0 : i32
      %add3A_37 = arith.addi %add3A_36, %mul3A_35 : i32
      %broadcast_in_dim3A = arith.constant 1.000000e+00 : f32
      %broadcast_in_dim3A_38 = vector.broadcast %broadcast_in_dim3A : f32 to vector<16xf32>
      %swap3A = arith.index_cast %add3A_37 : i32 to index
      %swap3A_39 = arith.constant 0 : index
      %swap3A_40 = tpu.vector_load %arg5[%swap3A, %swap3A_39] {strides = array<i32>} : memref<128x16xf32, #tpu.memory_space<vmem>>, vector<1x16xf32>,
      %swap3A_41 = vector.shape_cast %swap3A_40 : vector<1x16xf32> to vector<16xf32>
      %swap3A_42 = vector.shape_cast %broadcast_in_dim3A_38 : vector<16xf32> to vector<1x16xf32>
      tpu.vector_store %arg5[%swap3A, %swap3A_39], %swap3A_42 {strides = array<i32>} : memref<128x16xf32, #tpu.memory_space<vmem>>, vector<1x16xf32>,
    }
    %scan3A_4 = arith.constant 128 : i32
    %scan3A_5 = arith.constant 0 : i32
    %scan3A_6 = arith.constant 208 : i32
    %scan3A_7 = arith.addi %scan3A_5, %scan3A_6 : i32
    %scan3A_8 = arith.constant 1 : i32
    scf.for %scan3A_33 = %scan3A_5 to %scan3A_7 step %scan3A_8  : i32 {
      %mul3A_34 = arith.constant 1 : i32
      %mul3A_35 = arith.muli %scan3A_33, %mul3A_34 : i32
      %add3A_36 = arith.constant 0 : i32
      %add3A_37 = arith.addi %add3A_36, %mul3A_35 : i32
      %broadcast_in_dim3A = arith.constant 0.000000e+00 : f32
      %broadcast_in_dim3A_38 = vector.broadcast %broadcast_in_dim3A : f32 to vector<16xf32>
      %swap3A = arith.index_cast %add3A_37 : i32 to index
      %swap3A_39 = arith.constant 0 : index
      %swap3A_40 = tpu.vector_load %arg6[%swap3A, %swap3A_39] {strides = array<i32>} : memref<208x16xf32, #tpu.memory_space<vmem>>, vector<1x16xf32>,
      %swap3A_41 = vector.shape_cast %swap3A_40 : vector<1x16xf32> to vector<16xf32>
      %swap3A_42 = vector.shape_cast %broadcast_in_dim3A_38 : vector<16xf32> to vector<1x16xf32>
      tpu.vector_store %arg6[%swap3A, %swap3A_39], %swap3A_42 {strides = array<i32>} : memref<208x16xf32, #tpu.memory_space<vmem>>, vector<1x16xf32>,
    }
    %scan3A_9 = arith.constant 208 : i32
    %scan3A_10 = arith.constant 0 : i32
    %scan3A_11 = arith.constant 3 : i32
    %scan3A_12 = arith.addi %scan3A_10, %scan3A_11 : i32
    %scan3A_13 = arith.constant 1 : i32
    scf.for %scan3A_33 = %scan3A_10 to %scan3A_12 step %scan3A_13  : i32 {
      %mul3A_34 = arith.constant 1 : i32
      %mul3A_35 = arith.muli %scan3A_33, %mul3A_34 : i32
      %add3A_36 = arith.constant 0 : i32
      %add3A_37 = arith.addi %add3A_36, %mul3A_35 : i32
      %mul3A_38 = arith.constant 624 : i32
      %mul3A_39 = arith.muli %arg1, %mul3A_38 : i32
      %mul3A_40 = arith.constant 208 : i32
      %mul3A_41 = arith.muli %add3A_37, %mul3A_40 : i32
      %add3A_42 = arith.addi %mul3A_39, %mul3A_41 : i32
      "tpu.region"() ({
        %run_scoped3A = tpu.sem_alloc : memref<!tpu.dma_semaphore, #tpu.memory_space<semaphore_mem>>
        %dma_start3A = arith.constant 0 : i32
        %dma_start3A_43 = tpu.memref_slice %arg7[%add3A_42, %dma_start3A] : memref<10000x16xf32, #tpu.memory_space<vmem_shared>> -> memref<208x16xf32, #tpu.memory_space<vmem_shared>>
        %dma_start3A_44 = arith.constant 0 : i32
        %dma_start3A_45 = tpu.memref_slice %arg7[%add3A_42, %dma_start3A_44] : memref<10000x16xf32, #tpu.memory_space<vmem_shared>> -> memref<208x16xf32, #tpu.memory_space<vmem_shared>>
        tpu.enqueue_dma source(%arg6 : memref<208x16xf32, #tpu.memory_space<vmem>>) target(%dma_start3A_45 : memref<208x16xf32, #tpu.memory_space<vmem_shared>>) target_semaphore(%run_scoped3A : memref<!tpu.dma_semaphore, #tpu.memory_space<semaphore_mem>>)
        %dma_wait3A = arith.constant 0 : i32
        %dma_wait3A_46 = tpu.memref_slice %arg7[%add3A_42, %dma_wait3A] : memref<10000x16xf32, #tpu.memory_space<vmem_shared>> -> memref<208x16xf32, #tpu.memory_space<vmem_shared>>
        %dma_wait3A_47 = arith.constant 0 : i32
        %dma_wait3A_48 = tpu.memref_slice %arg7[%add3A_42, %dma_wait3A_47] : memref<10000x16xf32, #tpu.memory_space<vmem_shared>> -> memref<208x16xf32, #tpu.memory_space<vmem_shared>>
        tpu.wait_dma2 semaphore(%run_scoped3A : memref<!tpu.dma_semaphore, #tpu.memory_space<semaphore_mem>>) src(%arg6 : memref<208x16xf32, #tpu.memory_space<vmem>>) dst(%dma_wait3A_48 : memref<208x16xf32, #tpu.memory_space<vmem_shared>>)
        tpu.yield
      }) : () -> ()
    }
    %scan3A_14 = arith.constant 3 : i32
    %eq3A = arith.constant 15 : i32
    %eq3A_15 = arith.cmpi eq, %arg1, %eq3A : i32
    %convert_element_type3A = arith.extui %eq3A_15 : i1 to i32
    %cond3A = arith.constant 0 : i32
    %cond3A_16 = arith.cmpi ne, %convert_element_type3A, %cond3A : i32
    scf.if %cond3A_16 {
      "tpu.region"() ({
        %run_scoped3A = tpu.sem_alloc : memref<!tpu.dma_semaphore, #tpu.memory_space<semaphore_mem>>
        %dma_start3A = arith.constant 0 : i32
        %dma_start3A_33 = arith.constant 0 : i32
        %dma_start3A_34 = tpu.memref_slice %arg6[%dma_start3A, %dma_start3A_33] : memref<208x16xf32, #tpu.memory_space<vmem>> -> memref<16x16xf32, #tpu.memory_space<vmem>>
        %dma_start3A_35 = arith.constant 9984 : i32
        %dma_start3A_36 = arith.constant 0 : i32
        %dma_start3A_37 = tpu.memref_slice %arg7[%dma_start3A_35, %dma_start3A_36] : memref<10000x16xf32, #tpu.memory_space<vmem_shared>> -> memref<16x16xf32, #tpu.memory_space<vmem_shared>>
        %dma_start3A_38 = arith.constant 9984 : i32
        %dma_start3A_39 = arith.constant 0 : i32
        %dma_start3A_40 = tpu.memref_slice %arg7[%dma_start3A_38, %dma_start3A_39] : memref<10000x16xf32, #tpu.memory_space<vmem_shared>> -> memref<16x16xf32, #tpu.memory_space<vmem_shared>>
        %dma_start3A_41 = arith.constant 0 : i32
        %dma_start3A_42 = arith.constant 0 : i32
        %dma_start3A_43 = tpu.memref_slice %arg6[%dma_start3A_41, %dma_start3A_42] : memref<208x16xf32, #tpu.memory_space<vmem>> -> memref<16x16xf32, #tpu.memory_space<vmem>>
        tpu.enqueue_dma source(%dma_start3A_43 : memref<16x16xf32, #tpu.memory_space<vmem>>) target(%dma_start3A_40 : memref<16x16xf32, #tpu.memory_space<vmem_shared>>) target_semaphore(%run_scoped3A : memref<!tpu.dma_semaphore, #tpu.memory_space<semaphore_mem>>)
        %dma_wait3A = arith.constant 0 : i32
        %dma_wait3A_44 = arith.constant 0 : i32
        %dma_wait3A_45 = tpu.memref_slice %arg6[%dma_wait3A, %dma_wait3A_44] : memref<208x16xf32, #tpu.memory_space<vmem>> -> memref<16x16xf32, #tpu.memory_space<vmem>>
        %dma_wait3A_46 = arith.constant 9984 : i32
        %dma_wait3A_47 = arith.constant 0 : i32
        %dma_wait3A_48 = tpu.memref_slice %arg7[%dma_wait3A_46, %dma_wait3A_47] : memref<10000x16xf32, #tpu.memory_space<vmem_shared>> -> memref<16x16xf32, #tpu.memory_space<vmem_shared>>
        %dma_wait3A_49 = arith.constant 9984 : i32
        %dma_wait3A_50 = arith.constant 0 : i32
        %dma_wait3A_51 = tpu.memref_slice %arg7[%dma_wait3A_49, %dma_wait3A_50] : memref<10000x16xf32, #tpu.memory_space<vmem_shared>> -> memref<16x16xf32, #tpu.memory_space<vmem_shared>>
        %dma_wait3A_52 = arith.constant 0 : i32
        %dma_wait3A_53 = arith.constant 0 : i32
        %dma_wait3A_54 = tpu.memref_slice %arg6[%dma_wait3A_52, %dma_wait3A_53] : memref<208x16xf32, #tpu.memory_space<vmem>> -> memref<16x16xf32, #tpu.memory_space<vmem>>
        tpu.wait_dma2 semaphore(%run_scoped3A : memref<!tpu.dma_semaphore, #tpu.memory_space<semaphore_mem>>) src(%dma_wait3A_54 : memref<16x16xf32, #tpu.memory_space<vmem>>) dst(%dma_wait3A_51 : memref<16x16xf32, #tpu.memory_space<vmem_shared>>)
        tpu.yield
      }) : () -> ()
    } else {
    }
    %barrier3A = arith.constant 0 : index
    tpu.barrier barrier_id(%barrier3A)
    %scan3A_17 = arith.constant 0 : i32
    %scan3A_18 = arith.constant 79 : i32
    %scan3A_19 = arith.addi %scan3A_17, %scan3A_18 : i32
    %scan3A_20 = arith.constant 1 : i32
    scf.for %scan3A_33 = %scan3A_17 to %scan3A_19 step %scan3A_20  : i32 {
      %mul3A_34 = arith.constant 1 : i32
      %mul3A_35 = arith.muli %scan3A_33, %mul3A_34 : i32
      %add3A_36 = arith.constant 0 : i32
      %add3A_37 = arith.addi %add3A_36, %mul3A_35 : i32
      %mul3A_38 = arith.constant 32 : i32
      %mul3A_39 = arith.muli %add3A_37, %mul3A_38 : i32
      %add3A_40 = arith.addi %mul3A_39, %add3A : i32
      %lt3A = arith.constant 2500 : i32
      %lt3A_41 = arith.cmpi slt, %add3A_40, %lt3A : i32
      %convert_element_type3A_42 = arith.extui %lt3A_41 : i1 to i32
      %cond3A_43 = arith.constant 0 : i32
      %cond3A_44 = arith.cmpi ne, %convert_element_type3A_42, %cond3A_43 : i32
      scf.if %cond3A_44 {
        %mul3A_45 = arith.constant 128 : i32
        %mul3A_46 = arith.muli %add3A_40, %mul3A_45 : i32
        "tpu.region"() ({
          %run_scoped3A = tpu.sem_alloc : memref<!tpu.dma_semaphore, #tpu.memory_space<semaphore_mem>>
          %dma_start3A = tpu.memref_slice %arg2[%mul3A_46] : memref<320000xi32, #tpu.memory_space<hbm>> -> memref<128xi32, #tpu.memory_space<hbm>>
          %dma_start3A_47 = tpu.memref_slice %arg2[%mul3A_46] : memref<320000xi32, #tpu.memory_space<hbm>> -> memref<128xi32, #tpu.memory_space<hbm>>
          tpu.enqueue_dma source(%dma_start3A_47 : memref<128xi32, #tpu.memory_space<hbm>>) target(%arg4 : memref<128xi32, #tpu.memory_space<vmem>>) target_semaphore(%run_scoped3A : memref<!tpu.dma_semaphore, #tpu.memory_space<semaphore_mem>>)
          %dma_wait3A = tpu.memref_slice %arg2[%mul3A_46] : memref<320000xi32, #tpu.memory_space<hbm>> -> memref<128xi32, #tpu.memory_space<hbm>>
          %dma_wait3A_48 = tpu.memref_slice %arg2[%mul3A_46] : memref<320000xi32, #tpu.memory_space<hbm>> -> memref<128xi32, #tpu.memory_space<hbm>>
          tpu.wait_dma2 semaphore(%run_scoped3A : memref<!tpu.dma_semaphore, #tpu.memory_space<semaphore_mem>>) src(%dma_wait3A_48 : memref<128xi32, #tpu.memory_space<hbm>>) dst(%arg4 : memref<128xi32, #tpu.memory_space<vmem>>)
          tpu.yield
        }) : () -> ()
        "tpu.region"() ({
          %run_scoped3A = tpu.sem_alloc : memref<!tpu.dma_semaphore, #tpu.memory_space<semaphore_mem>>
          %dma_start3A = arith.constant 0 : i32
          %dma_start3A_47 = arith.constant 0 : i32
          %dma_start3A_48 = tpu.memref_slice %arg7[%dma_start3A, %dma_start3A_47] : memref<10000x16xf32, #tpu.memory_space<vmem_shared>> -> memref<10000x16xf32, #tpu.memory_space<vmem_shared>>
          tpu.enqueue_indirect_dma source(%arg5 : memref<128x16xf32, #tpu.memory_space<vmem>>) target(%dma_start3A_48 : memref<10000x16xf32, #tpu.memory_space<vmem_shared>>) offsets(%arg4 : memref<128xi32, #tpu.memory_space<vmem>>) semaphore(%run_scoped3A : memref<!tpu.dma_semaphore, #tpu.memory_space<semaphore_mem>>) {add = true}
          %dma_wait3A = arith.constant 0 : i32
          %dma_wait3A_49 = arith.constant 0 : i32
          %dma_wait3A_50 = tpu.memref_slice %arg7[%dma_wait3A, %dma_wait3A_49] : memref<10000x16xf32, #tpu.memory_space<vmem_shared>> -> memref<10000x16xf32, #tpu.memory_space<vmem_shared>>
          tpu.wait_indirect_dma semaphore(%run_scoped3A : memref<!tpu.dma_semaphore, #tpu.memory_space<semaphore_mem>>) src(%arg5 : memref<128x16xf32, #tpu.memory_space<vmem>>) dst(%dma_wait3A_50 : memref<10000x16xf32, #tpu.memory_space<vmem_shared>>)
          tpu.yield
        }) : () -> ()
      } else {
      }
    }
    %scan3A_21 = arith.constant 79 : i32
    %barrier3A_22 = arith.constant 0 : index
    tpu.barrier barrier_id(%barrier3A_22)
    %scan3A_23 = arith.constant 0 : i32
    %scan3A_24 = arith.constant 3 : i32
    %scan3A_25 = arith.addi %scan3A_23, %scan3A_24 : i32
    %scan3A_26 = arith.constant 1 : i32
    scf.for %scan3A_33 = %scan3A_23 to %scan3A_25 step %scan3A_26  : i32 {
      %mul3A_34 = arith.constant 1 : i32
      %mul3A_35 = arith.muli %scan3A_33, %mul3A_34 : i32
      %add3A_36 = arith.constant 0 : i32
      %add3A_37 = arith.addi %add3A_36, %mul3A_35 : i32
      %mul3A_38 = arith.constant 624 : i32
      %mul3A_39 = arith.muli %arg1, %mul3A_38 : i32
      %mul3A_40 = arith.constant 208 : i32
      %mul3A_41 = arith.muli %add3A_37, %mul3A_40 : i32
      %add3A_42 = arith.addi %mul3A_39, %mul3A_41 : i32
      "tpu.region"() ({
        %run_scoped3A = tpu.sem_alloc : memref<!tpu.dma_semaphore, #tpu.memory_space<semaphore_mem>>
        %dma_start3A = arith.constant 0 : i32
        %dma_start3A_43 = tpu.memref_slice %arg3[%arg0, %add3A_42, %dma_start3A] : memref<2x10000x16xf32, #tpu.memory_space<hbm>> -> memref<1x208x16xf32, #tpu.memory_space<hbm>>
        %dma_start3A_44 = tpu.memref_squeeze %dma_start3A_43 : memref<1x208x16xf32, #tpu.memory_space<hbm>> -> memref<208x16xf32, #tpu.memory_space<hbm>>
        %dma_start3A_45 = arith.constant 0 : i32
        %dma_start3A_46 = tpu.memref_slice %arg7[%add3A_42, %dma_start3A_45] : memref<10000x16xf32, #tpu.memory_space<vmem_shared>> -> memref<208x16xf32, #tpu.memory_space<vmem_shared>>
        tpu.enqueue_dma source(%dma_start3A_46 : memref<208x16xf32, #tpu.memory_space<vmem_shared>>) target(%dma_start3A_44 : memref<208x16xf32, #tpu.memory_space<hbm>>) target_semaphore(%run_scoped3A : memref<!tpu.dma_semaphore, #tpu.memory_space<semaphore_mem>>)
        %dma_wait3A = arith.constant 0 : i32
        %dma_wait3A_47 = tpu.memref_slice %arg3[%arg0, %add3A_42, %dma_wait3A] : memref<2x10000x16xf32, #tpu.memory_space<hbm>> -> memref<1x208x16xf32, #tpu.memory_space<hbm>>
        %dma_wait3A_48 = tpu.memref_squeeze %dma_wait3A_47 : memref<1x208x16xf32, #tpu.memory_space<hbm>> -> memref<208x16xf32, #tpu.memory_space<hbm>>
        %dma_wait3A_49 = arith.constant 0 : i32
        %dma_wait3A_50 = tpu.memref_slice %arg7[%add3A_42, %dma_wait3A_49] : memref<10000x16xf32, #tpu.memory_space<vmem_shared>> -> memref<208x16xf32, #tpu.memory_space<vmem_shared>>
        tpu.wait_dma2 semaphore(%run_scoped3A : memref<!tpu.dma_semaphore, #tpu.memory_space<semaphore_mem>>) src(%dma_wait3A_50 : memref<208x16xf32, #tpu.memory_space<vmem_shared>>) dst(%dma_wait3A_48 : memref<208x16xf32, #tpu.memory_space<hbm>>)
        tpu.yield
      }) : () -> ()
    }
    %scan3A_27 = arith.constant 3 : i32
    %eq3A_28 = arith.constant 15 : i32
    %eq3A_29 = arith.cmpi eq, %arg1, %eq3A_28 : i32
    %convert_element_type3A_30 = arith.extui %eq3A_29 : i1 to i32
    %cond3A_31 = arith.constant 0 : i32
    %cond3A_32 = arith.cmpi ne, %convert_element_type3A_30, %cond3A_31 : i32
    scf.if %cond3A_32 {
      "tpu.region"() ({
        %run_scoped3A = tpu.sem_alloc : memref<!tpu.dma_semaphore, #tpu.memory_space<semaphore_mem>>
        %dma_start3A = arith.constant 9984 : i32
        %dma_start3A_33 = arith.constant 0 : i32
        %dma_start3A_34 = tpu.memref_slice %arg3[%arg0, %dma_start3A, %dma_start3A_33] : memref<2x10000x16xf32, #tpu.memory_space<hbm>> -> memref<1x16x16xf32, #tpu.memory_space<hbm>>
        %dma_start3A_35 = tpu.memref_squeeze %dma_start3A_34 : memref<1x16x16xf32, #tpu.memory_space<hbm>> -> memref<16x16xf32, #tpu.memory_space<hbm>>
        %dma_start3A_36 = arith.constant 9984 : i32
        %dma_start3A_37 = arith.constant 0 : i32
        %dma_start3A_38 = tpu.memref_slice %arg7[%dma_start3A_36, %dma_start3A_37] : memref<10000x16xf32, #tpu.memory_space<vmem_shared>> -> memref<16x16xf32, #tpu.memory_space<vmem_shared>>
        tpu.enqueue_dma source(%dma_start3A_38 : memref<16x16xf32, #tpu.memory_space<vmem_shared>>) target(%dma_start3A_35 : memref<16x16xf32, #tpu.memory_space<hbm>>) target_semaphore(%run_scoped3A : memref<!tpu.dma_semaphore, #tpu.memory_space<semaphore_mem>>)
        %dma_wait3A = arith.constant 9984 : i32
        %dma_wait3A_39 = arith.constant 0 : i32
        %dma_wait3A_40 = tpu.memref_slice %arg3[%arg0, %dma_wait3A, %dma_wait3A_39] : memref<2x10000x16xf32, #tpu.memory_space<hbm>> -> memref<1x16x16xf32, #tpu.memory_space<hbm>>
        %dma_wait3A_41 = tpu.memref_squeeze %dma_wait3A_40 : memref<1x16x16xf32, #tpu.memory_space<hbm>> -> memref<16x16xf32, #tpu.memory_space<hbm>>
        %dma_wait3A_42 = arith.constant 9984 : i32
        %dma_wait3A_43 = arith.constant 0 : i32
        %dma_wait3A_44 = tpu.memref_slice %arg7[%dma_wait3A_42, %dma_wait3A_43] : memref<10000x16xf32, #tpu.memory_space<vmem_shared>> -> memref<16x16xf32, #tpu.memory_space<vmem_shared>>
        tpu.wait_dma2 semaphore(%run_scoped3A : memref<!tpu.dma_semaphore, #tpu.memory_space<semaphore_mem>>) src(%dma_wait3A_44 : memref<16x16xf32, #tpu.memory_space<vmem_shared>>) dst(%dma_wait3A_41 : memref<16x16xf32, #tpu.memory_space<hbm>>)
        tpu.yield
      }) : () -> ()
    } else {
    }
    return
  }
}

#map = affine_map<(d0, d1) -> (0)>
#map1 = affine_map<(d0, d1) -> (0, 0)>
#map2 = affine_map<(d0, d1) -> (0, 0, 0)>
module attributes {stable_mosaic.version = 14 : i64} {
  func.func @scat_kernel(%arg0: i32, %arg1: i32, %arg2: memref<320000xi32, #tpu.memory_space<hbm>>, %arg3: memref<320000xi32, #tpu.memory_space<hbm>>, %arg4: memref<10000x128xf32, #tpu.memory_space<hbm>>, %arg5: memref<2x10000x128xf32, #tpu.memory_space<hbm>>, %arg6: memref<128xi32, #tpu.memory_space<vmem>>, %arg7: memref<128xi32, #tpu.memory_space<vmem>>, %arg8: memref<128x128xf32, #tpu.memory_space<vmem>>, %arg9: memref<208x128xf32, #tpu.memory_space<vmem>>, %arg10: memref<10000x128xf32, #tpu.memory_space<vmem_shared>>, %arg11: memref<!tpu.dma_semaphore, #tpu.memory_space<semaphore_mem>>) attributes {dimension_semantics = [#tpu.dimension_semantics<core_parallel>, #tpu.dimension_semantics<subcore_parallel>], iteration_bounds = array<i64: 2, 16>, scalar_prefetch = 0 : i64, scratch_operands = 6 : i64, tpu.core_type = #tpu.core_type<sc_vector_subcore>, window_params = [{transform_indices = #map}, {transform_indices = #map}, {transform_indices = #map1}, {transform_indices = #map2}]} {
    %mul3A = arith.constant 2 : i32
    %mul3A_0 = arith.muli %arg1, %mul3A : i32
    %add3A = arith.addi %mul3A_0, %arg0 : i32
    %scan3A = arith.constant 0 : i32
    %scan3A_1 = arith.constant 208 : i32
    %scan3A_2 = arith.addi %scan3A, %scan3A_1 : i32
    %scan3A_3 = arith.constant 1 : i32
    scf.for %scan3A_28 = %scan3A to %scan3A_2 step %scan3A_3  : i32 {
      %mul3A_29 = arith.constant 1 : i32
      %mul3A_30 = arith.muli %scan3A_28, %mul3A_29 : i32
      %add3A_31 = arith.constant 0 : i32
      %add3A_32 = arith.addi %add3A_31, %mul3A_30 : i32
      %broadcast_in_dim3A = arith.constant 0.000000e+00 : f32
      %broadcast_in_dim3A_33 = vector.broadcast %broadcast_in_dim3A : f32 to vector<16xf32>
      %swap3A = arith.index_cast %add3A_32 : i32 to index
      %swap3A_34 = arith.constant 0 : index
      %swap3A_35 = tpu.vector_load %arg9[%swap3A, %swap3A_34] {strides = array<i32>} : memref<208x128xf32, #tpu.memory_space<vmem>>, vector<1x16xf32>,
      %swap3A_36 = vector.shape_cast %swap3A_35 : vector<1x16xf32> to vector<16xf32>
      %swap3A_37 = vector.shape_cast %broadcast_in_dim3A_33 : vector<16xf32> to vector<1x16xf32>
      tpu.vector_store %arg9[%swap3A, %swap3A_34], %swap3A_37 {strides = array<i32>} : memref<208x128xf32, #tpu.memory_space<vmem>>, vector<1x16xf32>,
      %broadcast_in_dim3A_38 = arith.constant 0.000000e+00 : f32
      %broadcast_in_dim3A_39 = vector.broadcast %broadcast_in_dim3A_38 : f32 to vector<16xf32>
      %swap3A_40 = arith.index_cast %add3A_32 : i32 to index
      %swap3A_41 = arith.constant 16 : index
      %swap3A_42 = tpu.vector_load %arg9[%swap3A_40, %swap3A_41] {strides = array<i32>} : memref<208x128xf32, #tpu.memory_space<vmem>>, vector<1x16xf32>,
      %swap3A_43 = vector.shape_cast %swap3A_42 : vector<1x16xf32> to vector<16xf32>
      %swap3A_44 = vector.shape_cast %broadcast_in_dim3A_39 : vector<16xf32> to vector<1x16xf32>
      tpu.vector_store %arg9[%swap3A_40, %swap3A_41], %swap3A_44 {strides = array<i32>} : memref<208x128xf32, #tpu.memory_space<vmem>>, vector<1x16xf32>,
      %broadcast_in_dim3A_45 = arith.constant 0.000000e+00 : f32
      %broadcast_in_dim3A_46 = vector.broadcast %broadcast_in_dim3A_45 : f32 to vector<16xf32>
      %swap3A_47 = arith.index_cast %add3A_32 : i32 to index
      %swap3A_48 = arith.constant 32 : index
      %swap3A_49 = tpu.vector_load %arg9[%swap3A_47, %swap3A_48] {strides = array<i32>} : memref<208x128xf32, #tpu.memory_space<vmem>>, vector<1x16xf32>,
      %swap3A_50 = vector.shape_cast %swap3A_49 : vector<1x16xf32> to vector<16xf32>
      %swap3A_51 = vector.shape_cast %broadcast_in_dim3A_46 : vector<16xf32> to vector<1x16xf32>
      tpu.vector_store %arg9[%swap3A_47, %swap3A_48], %swap3A_51 {strides = array<i32>} : memref<208x128xf32, #tpu.memory_space<vmem>>, vector<1x16xf32>,
      %broadcast_in_dim3A_52 = arith.constant 0.000000e+00 : f32
      %broadcast_in_dim3A_53 = vector.broadcast %broadcast_in_dim3A_52 : f32 to vector<16xf32>
      %swap3A_54 = arith.index_cast %add3A_32 : i32 to index
      %swap3A_55 = arith.constant 48 : index
      %swap3A_56 = tpu.vector_load %arg9[%swap3A_54, %swap3A_55] {strides = array<i32>} : memref<208x128xf32, #tpu.memory_space<vmem>>, vector<1x16xf32>,
      %swap3A_57 = vector.shape_cast %swap3A_56 : vector<1x16xf32> to vector<16xf32>
      %swap3A_58 = vector.shape_cast %broadcast_in_dim3A_53 : vector<16xf32> to vector<1x16xf32>
      tpu.vector_store %arg9[%swap3A_54, %swap3A_55], %swap3A_58 {strides = array<i32>} : memref<208x128xf32, #tpu.memory_space<vmem>>, vector<1x16xf32>,
      %broadcast_in_dim3A_59 = arith.constant 0.000000e+00 : f32
      %broadcast_in_dim3A_60 = vector.broadcast %broadcast_in_dim3A_59 : f32 to vector<16xf32>
      %swap3A_61 = arith.index_cast %add3A_32 : i32 to index
      %swap3A_62 = arith.constant 64 : index
      %swap3A_63 = tpu.vector_load %arg9[%swap3A_61, %swap3A_62] {strides = array<i32>} : memref<208x128xf32, #tpu.memory_space<vmem>>, vector<1x16xf32>,
      %swap3A_64 = vector.shape_cast %swap3A_63 : vector<1x16xf32> to vector<16xf32>
      %swap3A_65 = vector.shape_cast %broadcast_in_dim3A_60 : vector<16xf32> to vector<1x16xf32>
      tpu.vector_store %arg9[%swap3A_61, %swap3A_62], %swap3A_65 {strides = array<i32>} : memref<208x128xf32, #tpu.memory_space<vmem>>, vector<1x16xf32>,
      %broadcast_in_dim3A_66 = arith.constant 0.000000e+00 : f32
      %broadcast_in_dim3A_67 = vector.broadcast %broadcast_in_dim3A_66 : f32 to vector<16xf32>
      %swap3A_68 = arith.index_cast %add3A_32 : i32 to index
      %swap3A_69 = arith.constant 80 : index
      %swap3A_70 = tpu.vector_load %arg9[%swap3A_68, %swap3A_69] {strides = array<i32>} : memref<208x128xf32, #tpu.memory_space<vmem>>, vector<1x16xf32>,
      %swap3A_71 = vector.shape_cast %swap3A_70 : vector<1x16xf32> to vector<16xf32>
      %swap3A_72 = vector.shape_cast %broadcast_in_dim3A_67 : vector<16xf32> to vector<1x16xf32>
      tpu.vector_store %arg9[%swap3A_68, %swap3A_69], %swap3A_72 {strides = array<i32>} : memref<208x128xf32, #tpu.memory_space<vmem>>, vector<1x16xf32>,
      %broadcast_in_dim3A_73 = arith.constant 0.000000e+00 : f32
      %broadcast_in_dim3A_74 = vector.broadcast %broadcast_in_dim3A_73 : f32 to vector<16xf32>
      %swap3A_75 = arith.index_cast %add3A_32 : i32 to index
      %swap3A_76 = arith.constant 96 : index
      %swap3A_77 = tpu.vector_load %arg9[%swap3A_75, %swap3A_76] {strides = array<i32>} : memref<208x128xf32, #tpu.memory_space<vmem>>, vector<1x16xf32>,
      %swap3A_78 = vector.shape_cast %swap3A_77 : vector<1x16xf32> to vector<16xf32>
      %swap3A_79 = vector.shape_cast %broadcast_in_dim3A_74 : vector<16xf32> to vector<1x16xf32>
      tpu.vector_store %arg9[%swap3A_75, %swap3A_76], %swap3A_79 {strides = array<i32>} : memref<208x128xf32, #tpu.memory_space<vmem>>, vector<1x16xf32>,
      %broadcast_in_dim3A_80 = arith.constant 0.000000e+00 : f32
      %broadcast_in_dim3A_81 = vector.broadcast %broadcast_in_dim3A_80 : f32 to vector<16xf32>
      %swap3A_82 = arith.index_cast %add3A_32 : i32 to index
      %swap3A_83 = arith.constant 112 : index
      %swap3A_84 = tpu.vector_load %arg9[%swap3A_82, %swap3A_83] {strides = array<i32>} : memref<208x128xf32, #tpu.memory_space<vmem>>, vector<1x16xf32>,
      %swap3A_85 = vector.shape_cast %swap3A_84 : vector<1x16xf32> to vector<16xf32>
      %swap3A_86 = vector.shape_cast %broadcast_in_dim3A_81 : vector<16xf32> to vector<1x16xf32>
      tpu.vector_store %arg9[%swap3A_82, %swap3A_83], %swap3A_86 {strides = array<i32>} : memref<208x128xf32, #tpu.memory_space<vmem>>, vector<1x16xf32>,
    }
    %scan3A_4 = arith.constant 208 : i32
    %scan3A_5 = arith.constant 0 : i32
    %scan3A_6 = arith.constant 3 : i32
    %scan3A_7 = arith.addi %scan3A_5, %scan3A_6 : i32
    %scan3A_8 = arith.constant 1 : i32
    scf.for %scan3A_28 = %scan3A_5 to %scan3A_7 step %scan3A_8  : i32 {
      %mul3A_29 = arith.constant 1 : i32
      %mul3A_30 = arith.muli %scan3A_28, %mul3A_29 : i32
      %add3A_31 = arith.constant 0 : i32
      %add3A_32 = arith.addi %add3A_31, %mul3A_30 : i32
      %mul3A_33 = arith.constant 624 : i32
      %mul3A_34 = arith.muli %arg1, %mul3A_33 : i32
      %mul3A_35 = arith.constant 208 : i32
      %mul3A_36 = arith.muli %add3A_32, %mul3A_35 : i32
      %add3A_37 = arith.addi %mul3A_34, %mul3A_36 : i32
      "tpu.region"() ({
        %run_scoped3A = tpu.sem_alloc : memref<!tpu.dma_semaphore, #tpu.memory_space<semaphore_mem>>
        %dma_start3A = arith.constant 0 : i32
        %dma_start3A_38 = tpu.memref_slice %arg10[%add3A_37, %dma_start3A] : memref<10000x128xf32, #tpu.memory_space<vmem_shared>> -> memref<208x128xf32, #tpu.memory_space<vmem_shared>>
        %dma_start3A_39 = arith.constant 0 : i32
        %dma_start3A_40 = tpu.memref_slice %arg10[%add3A_37, %dma_start3A_39] : memref<10000x128xf32, #tpu.memory_space<vmem_shared>> -> memref<208x128xf32, #tpu.memory_space<vmem_shared>>
        tpu.enqueue_dma source(%arg9 : memref<208x128xf32, #tpu.memory_space<vmem>>) target(%dma_start3A_40 : memref<208x128xf32, #tpu.memory_space<vmem_shared>>) target_semaphore(%run_scoped3A : memref<!tpu.dma_semaphore, #tpu.memory_space<semaphore_mem>>)
        %dma_wait3A = arith.constant 0 : i32
        %dma_wait3A_41 = tpu.memref_slice %arg10[%add3A_37, %dma_wait3A] : memref<10000x128xf32, #tpu.memory_space<vmem_shared>> -> memref<208x128xf32, #tpu.memory_space<vmem_shared>>
        %dma_wait3A_42 = arith.constant 0 : i32
        %dma_wait3A_43 = tpu.memref_slice %arg10[%add3A_37, %dma_wait3A_42] : memref<10000x128xf32, #tpu.memory_space<vmem_shared>> -> memref<208x128xf32, #tpu.memory_space<vmem_shared>>
        tpu.wait_dma2 semaphore(%run_scoped3A : memref<!tpu.dma_semaphore, #tpu.memory_space<semaphore_mem>>) src(%arg9 : memref<208x128xf32, #tpu.memory_space<vmem>>) dst(%dma_wait3A_43 : memref<208x128xf32, #tpu.memory_space<vmem_shared>>)
        tpu.yield
      }) : () -> ()
    }
    %scan3A_9 = arith.constant 3 : i32
    %eq3A = arith.constant 15 : i32
    %eq3A_10 = arith.cmpi eq, %arg1, %eq3A : i32
    %convert_element_type3A = arith.extui %eq3A_10 : i1 to i32
    %cond3A = arith.constant 0 : i32
    %cond3A_11 = arith.cmpi ne, %convert_element_type3A, %cond3A : i32
    scf.if %cond3A_11 {
      "tpu.region"() ({
        %run_scoped3A = tpu.sem_alloc : memref<!tpu.dma_semaphore, #tpu.memory_space<semaphore_mem>>
        %dma_start3A = arith.constant 0 : i32
        %dma_start3A_28 = arith.constant 0 : i32
        %dma_start3A_29 = tpu.memref_slice %arg9[%dma_start3A, %dma_start3A_28] : memref<208x128xf32, #tpu.memory_space<vmem>> -> memref<16x128xf32, #tpu.memory_space<vmem>>
        %dma_start3A_30 = arith.constant 9984 : i32
        %dma_start3A_31 = arith.constant 0 : i32
        %dma_start3A_32 = tpu.memref_slice %arg10[%dma_start3A_30, %dma_start3A_31] : memref<10000x128xf32, #tpu.memory_space<vmem_shared>> -> memref<16x128xf32, #tpu.memory_space<vmem_shared>>
        %dma_start3A_33 = arith.constant 9984 : i32
        %dma_start3A_34 = arith.constant 0 : i32
        %dma_start3A_35 = tpu.memref_slice %arg10[%dma_start3A_33, %dma_start3A_34] : memref<10000x128xf32, #tpu.memory_space<vmem_shared>> -> memref<16x128xf32, #tpu.memory_space<vmem_shared>>
        %dma_start3A_36 = arith.constant 0 : i32
        %dma_start3A_37 = arith.constant 0 : i32
        %dma_start3A_38 = tpu.memref_slice %arg9[%dma_start3A_36, %dma_start3A_37] : memref<208x128xf32, #tpu.memory_space<vmem>> -> memref<16x128xf32, #tpu.memory_space<vmem>>
        tpu.enqueue_dma source(%dma_start3A_38 : memref<16x128xf32, #tpu.memory_space<vmem>>) target(%dma_start3A_35 : memref<16x128xf32, #tpu.memory_space<vmem_shared>>) target_semaphore(%run_scoped3A : memref<!tpu.dma_semaphore, #tpu.memory_space<semaphore_mem>>)
        %dma_wait3A = arith.constant 0 : i32
        %dma_wait3A_39 = arith.constant 0 : i32
        %dma_wait3A_40 = tpu.memref_slice %arg9[%dma_wait3A, %dma_wait3A_39] : memref<208x128xf32, #tpu.memory_space<vmem>> -> memref<16x128xf32, #tpu.memory_space<vmem>>
        %dma_wait3A_41 = arith.constant 9984 : i32
        %dma_wait3A_42 = arith.constant 0 : i32
        %dma_wait3A_43 = tpu.memref_slice %arg10[%dma_wait3A_41, %dma_wait3A_42] : memref<10000x128xf32, #tpu.memory_space<vmem_shared>> -> memref<16x128xf32, #tpu.memory_space<vmem_shared>>
        %dma_wait3A_44 = arith.constant 9984 : i32
        %dma_wait3A_45 = arith.constant 0 : i32
        %dma_wait3A_46 = tpu.memref_slice %arg10[%dma_wait3A_44, %dma_wait3A_45] : memref<10000x128xf32, #tpu.memory_space<vmem_shared>> -> memref<16x128xf32, #tpu.memory_space<vmem_shared>>
        %dma_wait3A_47 = arith.constant 0 : i32
        %dma_wait3A_48 = arith.constant 0 : i32
        %dma_wait3A_49 = tpu.memref_slice %arg9[%dma_wait3A_47, %dma_wait3A_48] : memref<208x128xf32, #tpu.memory_space<vmem>> -> memref<16x128xf32, #tpu.memory_space<vmem>>
        tpu.wait_dma2 semaphore(%run_scoped3A : memref<!tpu.dma_semaphore, #tpu.memory_space<semaphore_mem>>) src(%dma_wait3A_49 : memref<16x128xf32, #tpu.memory_space<vmem>>) dst(%dma_wait3A_46 : memref<16x128xf32, #tpu.memory_space<vmem_shared>>)
        tpu.yield
      }) : () -> ()
    } else {
    }
    %barrier3A = arith.constant 0 : index
    tpu.barrier barrier_id(%barrier3A)
    %scan3A_12 = arith.constant 0 : i32
    %scan3A_13 = arith.constant 79 : i32
    %scan3A_14 = arith.addi %scan3A_12, %scan3A_13 : i32
    %scan3A_15 = arith.constant 1 : i32
    scf.for %scan3A_28 = %scan3A_12 to %scan3A_14 step %scan3A_15  : i32 {
      %mul3A_29 = arith.constant 1 : i32
      %mul3A_30 = arith.muli %scan3A_28, %mul3A_29 : i32
      %add3A_31 = arith.constant 0 : i32
      %add3A_32 = arith.addi %add3A_31, %mul3A_30 : i32
      %mul3A_33 = arith.constant 32 : i32
      %mul3A_34 = arith.muli %add3A_32, %mul3A_33 : i32
      %add3A_35 = arith.addi %mul3A_34, %add3A : i32
      %lt3A = arith.constant 2500 : i32
      %lt3A_36 = arith.cmpi slt, %add3A_35, %lt3A : i32
      %convert_element_type3A_37 = arith.extui %lt3A_36 : i1 to i32
      %cond3A_38 = arith.constant 0 : i32
      %cond3A_39 = arith.cmpi ne, %convert_element_type3A_37, %cond3A_38 : i32
      scf.if %cond3A_39 {
        %mul3A_40 = arith.constant 128 : i32
        %mul3A_41 = arith.muli %add3A_35, %mul3A_40 : i32
        "tpu.region"() ({
          %run_scoped3A = tpu.sem_alloc : memref<!tpu.dma_semaphore, #tpu.memory_space<semaphore_mem>>
          %dma_start3A_46 = tpu.memref_slice %arg2[%mul3A_41] : memref<320000xi32, #tpu.memory_space<hbm>> -> memref<128xi32, #tpu.memory_space<hbm>>
          %dma_start3A_47 = tpu.memref_slice %arg2[%mul3A_41] : memref<320000xi32, #tpu.memory_space<hbm>> -> memref<128xi32, #tpu.memory_space<hbm>>
          tpu.enqueue_dma source(%dma_start3A_47 : memref<128xi32, #tpu.memory_space<hbm>>) target(%arg6 : memref<128xi32, #tpu.memory_space<vmem>>) target_semaphore(%run_scoped3A : memref<!tpu.dma_semaphore, #tpu.memory_space<semaphore_mem>>)
          %dma_wait3A_48 = tpu.memref_slice %arg2[%mul3A_41] : memref<320000xi32, #tpu.memory_space<hbm>> -> memref<128xi32, #tpu.memory_space<hbm>>
          %dma_wait3A_49 = tpu.memref_slice %arg2[%mul3A_41] : memref<320000xi32, #tpu.memory_space<hbm>> -> memref<128xi32, #tpu.memory_space<hbm>>
          tpu.wait_dma2 semaphore(%run_scoped3A : memref<!tpu.dma_semaphore, #tpu.memory_space<semaphore_mem>>) src(%dma_wait3A_49 : memref<128xi32, #tpu.memory_space<hbm>>) dst(%arg6 : memref<128xi32, #tpu.memory_space<vmem>>)
          tpu.yield
        }) : () -> ()
        "tpu.region"() ({
          %run_scoped3A = tpu.sem_alloc : memref<!tpu.dma_semaphore, #tpu.memory_space<semaphore_mem>>
          %dma_start3A_46 = tpu.memref_slice %arg3[%mul3A_41] : memref<320000xi32, #tpu.memory_space<hbm>> -> memref<128xi32, #tpu.memory_space<hbm>>
          %dma_start3A_47 = tpu.memref_slice %arg3[%mul3A_41] : memref<320000xi32, #tpu.memory_space<hbm>> -> memref<128xi32, #tpu.memory_space<hbm>>
          tpu.enqueue_dma source(%dma_start3A_47 : memref<128xi32, #tpu.memory_space<hbm>>) target(%arg7 : memref<128xi32, #tpu.memory_space<vmem>>) target_semaphore(%run_scoped3A : memref<!tpu.dma_semaphore, #tpu.memory_space<semaphore_mem>>)
          %dma_wait3A_48 = tpu.memref_slice %arg3[%mul3A_41] : memref<320000xi32, #tpu.memory_space<hbm>> -> memref<128xi32, #tpu.memory_space<hbm>>
          %dma_wait3A_49 = tpu.memref_slice %arg3[%mul3A_41] : memref<320000xi32, #tpu.memory_space<hbm>> -> memref<128xi32, #tpu.memory_space<hbm>>
          tpu.wait_dma2 semaphore(%run_scoped3A : memref<!tpu.dma_semaphore, #tpu.memory_space<semaphore_mem>>) src(%dma_wait3A_49 : memref<128xi32, #tpu.memory_space<hbm>>) dst(%arg7 : memref<128xi32, #tpu.memory_space<vmem>>)
          tpu.yield
        }) : () -> ()
        %dma_start3A = arith.constant 0 : i32
        %dma_start3A_42 = arith.constant 0 : i32
        %dma_start3A_43 = tpu.memref_slice %arg4[%dma_start3A, %dma_start3A_42] : memref<10000x128xf32, #tpu.memory_space<hbm>> -> memref<10000x128xf32, #tpu.memory_space<hbm>>
        tpu.enqueue_indirect_dma source(%dma_start3A_43 : memref<10000x128xf32, #tpu.memory_space<hbm>>) target(%arg8 : memref<128x128xf32, #tpu.memory_space<vmem>>) offsets(%arg6 : memref<128xi32, #tpu.memory_space<vmem>>) semaphore(%arg11 : memref<!tpu.dma_semaphore, #tpu.memory_space<semaphore_mem>>)
        %dma_wait3A = arith.constant 0 : i32
        %dma_wait3A_44 = arith.constant 0 : i32
        %dma_wait3A_45 = tpu.memref_slice %arg4[%dma_wait3A, %dma_wait3A_44] : memref<10000x128xf32, #tpu.memory_space<hbm>> -> memref<10000x128xf32, #tpu.memory_space<hbm>>
        tpu.wait_indirect_dma semaphore(%arg11 : memref<!tpu.dma_semaphore, #tpu.memory_space<semaphore_mem>>) src(%dma_wait3A_45 : memref<10000x128xf32, #tpu.memory_space<hbm>>) dst(%arg8 : memref<128x128xf32, #tpu.memory_space<vmem>>)
        "tpu.region"() ({
          %run_scoped3A = tpu.sem_alloc : memref<!tpu.dma_semaphore, #tpu.memory_space<semaphore_mem>>
          %dma_start3A_46 = arith.constant 0 : i32
          %dma_start3A_47 = arith.constant 0 : i32
          %dma_start3A_48 = tpu.memref_slice %arg10[%dma_start3A_46, %dma_start3A_47] : memref<10000x128xf32, #tpu.memory_space<vmem_shared>> -> memref<10000x128xf32, #tpu.memory_space<vmem_shared>>
          tpu.enqueue_indirect_dma source(%arg8 : memref<128x128xf32, #tpu.memory_space<vmem>>) target(%dma_start3A_48 : memref<10000x128xf32, #tpu.memory_space<vmem_shared>>) offsets(%arg7 : memref<128xi32, #tpu.memory_space<vmem>>) semaphore(%run_scoped3A : memref<!tpu.dma_semaphore, #tpu.memory_space<semaphore_mem>>) {add = true}
          %dma_wait3A_49 = arith.constant 0 : i32
          %dma_wait3A_50 = arith.constant 0 : i32
          %dma_wait3A_51 = tpu.memref_slice %arg10[%dma_wait3A_49, %dma_wait3A_50] : memref<10000x128xf32, #tpu.memory_space<vmem_shared>> -> memref<10000x128xf32, #tpu.memory_space<vmem_shared>>
          tpu.wait_indirect_dma semaphore(%run_scoped3A : memref<!tpu.dma_semaphore, #tpu.memory_space<semaphore_mem>>) src(%arg8 : memref<128x128xf32, #tpu.memory_space<vmem>>) dst(%dma_wait3A_51 : memref<10000x128xf32, #tpu.memory_space<vmem_shared>>)
          tpu.yield
        }) : () -> ()
      } else {
      }
    }
    %scan3A_16 = arith.constant 79 : i32
    %barrier3A_17 = arith.constant 0 : index
    tpu.barrier barrier_id(%barrier3A_17)
    %scan3A_18 = arith.constant 0 : i32
    %scan3A_19 = arith.constant 3 : i32
    %scan3A_20 = arith.addi %scan3A_18, %scan3A_19 : i32
    %scan3A_21 = arith.constant 1 : i32
    scf.for %scan3A_28 = %scan3A_18 to %scan3A_20 step %scan3A_21  : i32 {
      %mul3A_29 = arith.constant 1 : i32
      %mul3A_30 = arith.muli %scan3A_28, %mul3A_29 : i32
      %add3A_31 = arith.constant 0 : i32
      %add3A_32 = arith.addi %add3A_31, %mul3A_30 : i32
      %mul3A_33 = arith.constant 624 : i32
      %mul3A_34 = arith.muli %arg1, %mul3A_33 : i32
      %mul3A_35 = arith.constant 208 : i32
      %mul3A_36 = arith.muli %add3A_32, %mul3A_35 : i32
      %add3A_37 = arith.addi %mul3A_34, %mul3A_36 : i32
      "tpu.region"() ({
        %run_scoped3A = tpu.sem_alloc : memref<!tpu.dma_semaphore, #tpu.memory_space<semaphore_mem>>
        %dma_start3A = arith.constant 0 : i32
        %dma_start3A_38 = tpu.memref_slice %arg5[%arg0, %add3A_37, %dma_start3A] : memref<2x10000x128xf32, #tpu.memory_space<hbm>> -> memref<1x208x128xf32, #tpu.memory_space<hbm>>
        %dma_start3A_39 = tpu.memref_squeeze %dma_start3A_38 : memref<1x208x128xf32, #tpu.memory_space<hbm>> -> memref<208x128xf32, #tpu.memory_space<hbm>>
        %dma_start3A_40 = arith.constant 0 : i32
        %dma_start3A_41 = tpu.memref_slice %arg10[%add3A_37, %dma_start3A_40] : memref<10000x128xf32, #tpu.memory_space<vmem_shared>> -> memref<208x128xf32, #tpu.memory_space<vmem_shared>>
        tpu.enqueue_dma source(%dma_start3A_41 : memref<208x128xf32, #tpu.memory_space<vmem_shared>>) target(%dma_start3A_39 : memref<208x128xf32, #tpu.memory_space<hbm>>) target_semaphore(%run_scoped3A : memref<!tpu.dma_semaphore, #tpu.memory_space<semaphore_mem>>)
        %dma_wait3A = arith.constant 0 : i32
        %dma_wait3A_42 = tpu.memref_slice %arg5[%arg0, %add3A_37, %dma_wait3A] : memref<2x10000x128xf32, #tpu.memory_space<hbm>> -> memref<1x208x128xf32, #tpu.memory_space<hbm>>
        %dma_wait3A_43 = tpu.memref_squeeze %dma_wait3A_42 : memref<1x208x128xf32, #tpu.memory_space<hbm>> -> memref<208x128xf32, #tpu.memory_space<hbm>>
        %dma_wait3A_44 = arith.constant 0 : i32
        %dma_wait3A_45 = tpu.memref_slice %arg10[%add3A_37, %dma_wait3A_44] : memref<10000x128xf32, #tpu.memory_space<vmem_shared>> -> memref<208x128xf32, #tpu.memory_space<vmem_shared>>
        tpu.wait_dma2 semaphore(%run_scoped3A : memref<!tpu.dma_semaphore, #tpu.memory_space<semaphore_mem>>) src(%dma_wait3A_45 : memref<208x128xf32, #tpu.memory_space<vmem_shared>>) dst(%dma_wait3A_43 : memref<208x128xf32, #tpu.memory_space<hbm>>)
        tpu.yield
      }) : () -> ()
    }
    %scan3A_22 = arith.constant 3 : i32
    %eq3A_23 = arith.constant 15 : i32
    %eq3A_24 = arith.cmpi eq, %arg1, %eq3A_23 : i32
    %convert_element_type3A_25 = arith.extui %eq3A_24 : i1 to i32
    %cond3A_26 = arith.constant 0 : i32
    %cond3A_27 = arith.cmpi ne, %convert_element_type3A_25, %cond3A_26 : i32
    scf.if %cond3A_27 {
      "tpu.region"() ({
        %run_scoped3A = tpu.sem_alloc : memref<!tpu.dma_semaphore, #tpu.memory_space<semaphore_mem>>
        %dma_start3A = arith.constant 9984 : i32
        %dma_start3A_28 = arith.constant 0 : i32
        %dma_start3A_29 = tpu.memref_slice %arg5[%arg0, %dma_start3A, %dma_start3A_28] : memref<2x10000x128xf32, #tpu.memory_space<hbm>> -> memref<1x16x128xf32, #tpu.memory_space<hbm>>
        %dma_start3A_30 = tpu.memref_squeeze %dma_start3A_29 : memref<1x16x128xf32, #tpu.memory_space<hbm>> -> memref<16x128xf32, #tpu.memory_space<hbm>>
        %dma_start3A_31 = arith.constant 9984 : i32
        %dma_start3A_32 = arith.constant 0 : i32
        %dma_start3A_33 = tpu.memref_slice %arg10[%dma_start3A_31, %dma_start3A_32] : memref<10000x128xf32, #tpu.memory_space<vmem_shared>> -> memref<16x128xf32, #tpu.memory_space<vmem_shared>>
        tpu.enqueue_dma source(%dma_start3A_33 : memref<16x128xf32, #tpu.memory_space<vmem_shared>>) target(%dma_start3A_30 : memref<16x128xf32, #tpu.memory_space<hbm>>) target_semaphore(%run_scoped3A : memref<!tpu.dma_semaphore, #tpu.memory_space<semaphore_mem>>)
        %dma_wait3A = arith.constant 9984 : i32
        %dma_wait3A_34 = arith.constant 0 : i32
        %dma_wait3A_35 = tpu.memref_slice %arg5[%arg0, %dma_wait3A, %dma_wait3A_34] : memref<2x10000x128xf32, #tpu.memory_space<hbm>> -> memref<1x16x128xf32, #tpu.memory_space<hbm>>
        %dma_wait3A_36 = tpu.memref_squeeze %dma_wait3A_35 : memref<1x16x128xf32, #tpu.memory_space<hbm>> -> memref<16x128xf32, #tpu.memory_space<hbm>>
        %dma_wait3A_37 = arith.constant 9984 : i32
        %dma_wait3A_38 = arith.constant 0 : i32
        %dma_wait3A_39 = tpu.memref_slice %arg10[%dma_wait3A_37, %dma_wait3A_38] : memref<10000x128xf32, #tpu.memory_space<vmem_shared>> -> memref<16x128xf32, #tpu.memory_space<vmem_shared>>
        tpu.wait_dma2 semaphore(%run_scoped3A : memref<!tpu.dma_semaphore, #tpu.memory_space<semaphore_mem>>) src(%dma_wait3A_39 : memref<16x128xf32, #tpu.memory_space<vmem_shared>>) dst(%dma_wait3A_36 : memref<16x128xf32, #tpu.memory_space<hbm>>)
        tpu.yield
      }) : () -> ()
    } else {
    }
    return
  }
}

#map = affine_map<(d0, d1) -> (0)>
#map1 = affine_map<(d0, d1) -> (0, 0)>
#map2 = affine_map<(d0, d1) -> (0, 0, 0)>
module attributes {stable_mosaic.version = 14 : i64} {
  func.func @scat_kernel(%arg0: i32, %arg1: i32, %arg2: memref<320000xi32, #tpu.memory_space<hbm>>, %arg3: memref<320000xi32, #tpu.memory_space<hbm>>, %arg4: memref<10000x128xf32, #tpu.memory_space<hbm>>, %arg5: memref<2x10000x128xf32, #tpu.memory_space<hbm>>, %arg6: memref<128xi32, #tpu.memory_space<vmem>>, %arg7: memref<128xi32, #tpu.memory_space<vmem>>, %arg8: memref<128x128xf32, #tpu.memory_space<vmem>>, %arg9: memref<208x128xf32, #tpu.memory_space<vmem>>, %arg10: memref<10000x128xf32, #tpu.memory_space<vmem_shared>>, %arg11: memref<!tpu.dma_semaphore, #tpu.memory_space<semaphore_mem>>) attributes {dimension_semantics = [#tpu.dimension_semantics<core_parallel>, #tpu.dimension_semantics<subcore_parallel>], iteration_bounds = array<i64: 2, 16>, scalar_prefetch = 0 : i64, scratch_operands = 6 : i64, tpu.core_type = #tpu.core_type<sc_vector_subcore>, window_params = [{transform_indices = #map}, {transform_indices = #map}, {transform_indices = #map1}, {transform_indices = #map2}]} {
    %mul3A = arith.constant 2 : i32
    %mul3A_0 = arith.muli %arg1, %mul3A : i32
    %add3A = arith.addi %mul3A_0, %arg0 : i32
    %scan3A = arith.constant 0 : i32
    %scan3A_1 = arith.constant 208 : i32
    %scan3A_2 = arith.addi %scan3A, %scan3A_1 : i32
    %scan3A_3 = arith.constant 1 : i32
    scf.for %scan3A_28 = %scan3A to %scan3A_2 step %scan3A_3  : i32 {
      %mul3A_29 = arith.constant 1 : i32
      %mul3A_30 = arith.muli %scan3A_28, %mul3A_29 : i32
      %add3A_31 = arith.constant 0 : i32
      %add3A_32 = arith.addi %add3A_31, %mul3A_30 : i32
      %broadcast_in_dim3A = arith.constant 0.000000e+00 : f32
      %broadcast_in_dim3A_33 = vector.broadcast %broadcast_in_dim3A : f32 to vector<16xf32>
      %swap3A = arith.index_cast %add3A_32 : i32 to index
      %swap3A_34 = arith.constant 0 : index
      %swap3A_35 = tpu.vector_load %arg9[%swap3A, %swap3A_34] {strides = array<i32>} : memref<208x128xf32, #tpu.memory_space<vmem>>, vector<1x16xf32>,
      %swap3A_36 = vector.shape_cast %swap3A_35 : vector<1x16xf32> to vector<16xf32>
      %swap3A_37 = vector.shape_cast %broadcast_in_dim3A_33 : vector<16xf32> to vector<1x16xf32>
      tpu.vector_store %arg9[%swap3A, %swap3A_34], %swap3A_37 {strides = array<i32>} : memref<208x128xf32, #tpu.memory_space<vmem>>, vector<1x16xf32>,
      %broadcast_in_dim3A_38 = arith.constant 0.000000e+00 : f32
      %broadcast_in_dim3A_39 = vector.broadcast %broadcast_in_dim3A_38 : f32 to vector<16xf32>
      %swap3A_40 = arith.index_cast %add3A_32 : i32 to index
      %swap3A_41 = arith.constant 16 : index
      %swap3A_42 = tpu.vector_load %arg9[%swap3A_40, %swap3A_41] {strides = array<i32>} : memref<208x128xf32, #tpu.memory_space<vmem>>, vector<1x16xf32>,
      %swap3A_43 = vector.shape_cast %swap3A_42 : vector<1x16xf32> to vector<16xf32>
      %swap3A_44 = vector.shape_cast %broadcast_in_dim3A_39 : vector<16xf32> to vector<1x16xf32>
      tpu.vector_store %arg9[%swap3A_40, %swap3A_41], %swap3A_44 {strides = array<i32>} : memref<208x128xf32, #tpu.memory_space<vmem>>, vector<1x16xf32>,
      %broadcast_in_dim3A_45 = arith.constant 0.000000e+00 : f32
      %broadcast_in_dim3A_46 = vector.broadcast %broadcast_in_dim3A_45 : f32 to vector<16xf32>
      %swap3A_47 = arith.index_cast %add3A_32 : i32 to index
      %swap3A_48 = arith.constant 32 : index
      %swap3A_49 = tpu.vector_load %arg9[%swap3A_47, %swap3A_48] {strides = array<i32>} : memref<208x128xf32, #tpu.memory_space<vmem>>, vector<1x16xf32>,
      %swap3A_50 = vector.shape_cast %swap3A_49 : vector<1x16xf32> to vector<16xf32>
      %swap3A_51 = vector.shape_cast %broadcast_in_dim3A_46 : vector<16xf32> to vector<1x16xf32>
      tpu.vector_store %arg9[%swap3A_47, %swap3A_48], %swap3A_51 {strides = array<i32>} : memref<208x128xf32, #tpu.memory_space<vmem>>, vector<1x16xf32>,
      %broadcast_in_dim3A_52 = arith.constant 0.000000e+00 : f32
      %broadcast_in_dim3A_53 = vector.broadcast %broadcast_in_dim3A_52 : f32 to vector<16xf32>
      %swap3A_54 = arith.index_cast %add3A_32 : i32 to index
      %swap3A_55 = arith.constant 48 : index
      %swap3A_56 = tpu.vector_load %arg9[%swap3A_54, %swap3A_55] {strides = array<i32>} : memref<208x128xf32, #tpu.memory_space<vmem>>, vector<1x16xf32>,
      %swap3A_57 = vector.shape_cast %swap3A_56 : vector<1x16xf32> to vector<16xf32>
      %swap3A_58 = vector.shape_cast %broadcast_in_dim3A_53 : vector<16xf32> to vector<1x16xf32>
      tpu.vector_store %arg9[%swap3A_54, %swap3A_55], %swap3A_58 {strides = array<i32>} : memref<208x128xf32, #tpu.memory_space<vmem>>, vector<1x16xf32>,
      %broadcast_in_dim3A_59 = arith.constant 0.000000e+00 : f32
      %broadcast_in_dim3A_60 = vector.broadcast %broadcast_in_dim3A_59 : f32 to vector<16xf32>
      %swap3A_61 = arith.index_cast %add3A_32 : i32 to index
      %swap3A_62 = arith.constant 64 : index
      %swap3A_63 = tpu.vector_load %arg9[%swap3A_61, %swap3A_62] {strides = array<i32>} : memref<208x128xf32, #tpu.memory_space<vmem>>, vector<1x16xf32>,
      %swap3A_64 = vector.shape_cast %swap3A_63 : vector<1x16xf32> to vector<16xf32>
      %swap3A_65 = vector.shape_cast %broadcast_in_dim3A_60 : vector<16xf32> to vector<1x16xf32>
      tpu.vector_store %arg9[%swap3A_61, %swap3A_62], %swap3A_65 {strides = array<i32>} : memref<208x128xf32, #tpu.memory_space<vmem>>, vector<1x16xf32>,
      %broadcast_in_dim3A_66 = arith.constant 0.000000e+00 : f32
      %broadcast_in_dim3A_67 = vector.broadcast %broadcast_in_dim3A_66 : f32 to vector<16xf32>
      %swap3A_68 = arith.index_cast %add3A_32 : i32 to index
      %swap3A_69 = arith.constant 80 : index
      %swap3A_70 = tpu.vector_load %arg9[%swap3A_68, %swap3A_69] {strides = array<i32>} : memref<208x128xf32, #tpu.memory_space<vmem>>, vector<1x16xf32>,
      %swap3A_71 = vector.shape_cast %swap3A_70 : vector<1x16xf32> to vector<16xf32>
      %swap3A_72 = vector.shape_cast %broadcast_in_dim3A_67 : vector<16xf32> to vector<1x16xf32>
      tpu.vector_store %arg9[%swap3A_68, %swap3A_69], %swap3A_72 {strides = array<i32>} : memref<208x128xf32, #tpu.memory_space<vmem>>, vector<1x16xf32>,
      %broadcast_in_dim3A_73 = arith.constant 0.000000e+00 : f32
      %broadcast_in_dim3A_74 = vector.broadcast %broadcast_in_dim3A_73 : f32 to vector<16xf32>
      %swap3A_75 = arith.index_cast %add3A_32 : i32 to index
      %swap3A_76 = arith.constant 96 : index
      %swap3A_77 = tpu.vector_load %arg9[%swap3A_75, %swap3A_76] {strides = array<i32>} : memref<208x128xf32, #tpu.memory_space<vmem>>, vector<1x16xf32>,
      %swap3A_78 = vector.shape_cast %swap3A_77 : vector<1x16xf32> to vector<16xf32>
      %swap3A_79 = vector.shape_cast %broadcast_in_dim3A_74 : vector<16xf32> to vector<1x16xf32>
      tpu.vector_store %arg9[%swap3A_75, %swap3A_76], %swap3A_79 {strides = array<i32>} : memref<208x128xf32, #tpu.memory_space<vmem>>, vector<1x16xf32>,
      %broadcast_in_dim3A_80 = arith.constant 0.000000e+00 : f32
      %broadcast_in_dim3A_81 = vector.broadcast %broadcast_in_dim3A_80 : f32 to vector<16xf32>
      %swap3A_82 = arith.index_cast %add3A_32 : i32 to index
      %swap3A_83 = arith.constant 112 : index
      %swap3A_84 = tpu.vector_load %arg9[%swap3A_82, %swap3A_83] {strides = array<i32>} : memref<208x128xf32, #tpu.memory_space<vmem>>, vector<1x16xf32>,
      %swap3A_85 = vector.shape_cast %swap3A_84 : vector<1x16xf32> to vector<16xf32>
      %swap3A_86 = vector.shape_cast %broadcast_in_dim3A_81 : vector<16xf32> to vector<1x16xf32>
      tpu.vector_store %arg9[%swap3A_82, %swap3A_83], %swap3A_86 {strides = array<i32>} : memref<208x128xf32, #tpu.memory_space<vmem>>, vector<1x16xf32>,
    }
    %scan3A_4 = arith.constant 208 : i32
    %scan3A_5 = arith.constant 0 : i32
    %scan3A_6 = arith.constant 3 : i32
    %scan3A_7 = arith.addi %scan3A_5, %scan3A_6 : i32
    %scan3A_8 = arith.constant 1 : i32
    scf.for %scan3A_28 = %scan3A_5 to %scan3A_7 step %scan3A_8  : i32 {
      %mul3A_29 = arith.constant 1 : i32
      %mul3A_30 = arith.muli %scan3A_28, %mul3A_29 : i32
      %add3A_31 = arith.constant 0 : i32
      %add3A_32 = arith.addi %add3A_31, %mul3A_30 : i32
      %mul3A_33 = arith.constant 624 : i32
      %mul3A_34 = arith.muli %arg1, %mul3A_33 : i32
      %mul3A_35 = arith.constant 208 : i32
      %mul3A_36 = arith.muli %add3A_32, %mul3A_35 : i32
      %add3A_37 = arith.addi %mul3A_34, %mul3A_36 : i32
      "tpu.region"() ({
        %run_scoped3A = tpu.sem_alloc : memref<!tpu.dma_semaphore, #tpu.memory_space<semaphore_mem>>
        %dma_start3A = arith.constant 0 : i32
        %dma_start3A_38 = tpu.memref_slice %arg10[%add3A_37, %dma_start3A] : memref<10000x128xf32, #tpu.memory_space<vmem_shared>> -> memref<208x128xf32, #tpu.memory_space<vmem_shared>>
        %dma_start3A_39 = arith.constant 0 : i32
        %dma_start3A_40 = tpu.memref_slice %arg10[%add3A_37, %dma_start3A_39] : memref<10000x128xf32, #tpu.memory_space<vmem_shared>> -> memref<208x128xf32, #tpu.memory_space<vmem_shared>>
        tpu.enqueue_dma source(%arg9 : memref<208x128xf32, #tpu.memory_space<vmem>>) target(%dma_start3A_40 : memref<208x128xf32, #tpu.memory_space<vmem_shared>>) target_semaphore(%run_scoped3A : memref<!tpu.dma_semaphore, #tpu.memory_space<semaphore_mem>>)
        %dma_wait3A = arith.constant 0 : i32
        %dma_wait3A_41 = tpu.memref_slice %arg10[%add3A_37, %dma_wait3A] : memref<10000x128xf32, #tpu.memory_space<vmem_shared>> -> memref<208x128xf32, #tpu.memory_space<vmem_shared>>
        %dma_wait3A_42 = arith.constant 0 : i32
        %dma_wait3A_43 = tpu.memref_slice %arg10[%add3A_37, %dma_wait3A_42] : memref<10000x128xf32, #tpu.memory_space<vmem_shared>> -> memref<208x128xf32, #tpu.memory_space<vmem_shared>>
        tpu.wait_dma2 semaphore(%run_scoped3A : memref<!tpu.dma_semaphore, #tpu.memory_space<semaphore_mem>>) src(%arg9 : memref<208x128xf32, #tpu.memory_space<vmem>>) dst(%dma_wait3A_43 : memref<208x128xf32, #tpu.memory_space<vmem_shared>>)
        tpu.yield
      }) : () -> ()
    }
    %scan3A_9 = arith.constant 3 : i32
    %eq3A = arith.constant 15 : i32
    %eq3A_10 = arith.cmpi eq, %arg1, %eq3A : i32
    %convert_element_type3A = arith.extui %eq3A_10 : i1 to i32
    %cond3A = arith.constant 0 : i32
    %cond3A_11 = arith.cmpi ne, %convert_element_type3A, %cond3A : i32
    scf.if %cond3A_11 {
      "tpu.region"() ({
        %run_scoped3A = tpu.sem_alloc : memref<!tpu.dma_semaphore, #tpu.memory_space<semaphore_mem>>
        %dma_start3A = arith.constant 0 : i32
        %dma_start3A_28 = arith.constant 0 : i32
        %dma_start3A_29 = tpu.memref_slice %arg9[%dma_start3A, %dma_start3A_28] : memref<208x128xf32, #tpu.memory_space<vmem>> -> memref<16x128xf32, #tpu.memory_space<vmem>>
        %dma_start3A_30 = arith.constant 9984 : i32
        %dma_start3A_31 = arith.constant 0 : i32
        %dma_start3A_32 = tpu.memref_slice %arg10[%dma_start3A_30, %dma_start3A_31] : memref<10000x128xf32, #tpu.memory_space<vmem_shared>> -> memref<16x128xf32, #tpu.memory_space<vmem_shared>>
        %dma_start3A_33 = arith.constant 9984 : i32
        %dma_start3A_34 = arith.constant 0 : i32
        %dma_start3A_35 = tpu.memref_slice %arg10[%dma_start3A_33, %dma_start3A_34] : memref<10000x128xf32, #tpu.memory_space<vmem_shared>> -> memref<16x128xf32, #tpu.memory_space<vmem_shared>>
        %dma_start3A_36 = arith.constant 0 : i32
        %dma_start3A_37 = arith.constant 0 : i32
        %dma_start3A_38 = tpu.memref_slice %arg9[%dma_start3A_36, %dma_start3A_37] : memref<208x128xf32, #tpu.memory_space<vmem>> -> memref<16x128xf32, #tpu.memory_space<vmem>>
        tpu.enqueue_dma source(%dma_start3A_38 : memref<16x128xf32, #tpu.memory_space<vmem>>) target(%dma_start3A_35 : memref<16x128xf32, #tpu.memory_space<vmem_shared>>) target_semaphore(%run_scoped3A : memref<!tpu.dma_semaphore, #tpu.memory_space<semaphore_mem>>)
        %dma_wait3A = arith.constant 0 : i32
        %dma_wait3A_39 = arith.constant 0 : i32
        %dma_wait3A_40 = tpu.memref_slice %arg9[%dma_wait3A, %dma_wait3A_39] : memref<208x128xf32, #tpu.memory_space<vmem>> -> memref<16x128xf32, #tpu.memory_space<vmem>>
        %dma_wait3A_41 = arith.constant 9984 : i32
        %dma_wait3A_42 = arith.constant 0 : i32
        %dma_wait3A_43 = tpu.memref_slice %arg10[%dma_wait3A_41, %dma_wait3A_42] : memref<10000x128xf32, #tpu.memory_space<vmem_shared>> -> memref<16x128xf32, #tpu.memory_space<vmem_shared>>
        %dma_wait3A_44 = arith.constant 9984 : i32
        %dma_wait3A_45 = arith.constant 0 : i32
        %dma_wait3A_46 = tpu.memref_slice %arg10[%dma_wait3A_44, %dma_wait3A_45] : memref<10000x128xf32, #tpu.memory_space<vmem_shared>> -> memref<16x128xf32, #tpu.memory_space<vmem_shared>>
        %dma_wait3A_47 = arith.constant 0 : i32
        %dma_wait3A_48 = arith.constant 0 : i32
        %dma_wait3A_49 = tpu.memref_slice %arg9[%dma_wait3A_47, %dma_wait3A_48] : memref<208x128xf32, #tpu.memory_space<vmem>> -> memref<16x128xf32, #tpu.memory_space<vmem>>
        tpu.wait_dma2 semaphore(%run_scoped3A : memref<!tpu.dma_semaphore, #tpu.memory_space<semaphore_mem>>) src(%dma_wait3A_49 : memref<16x128xf32, #tpu.memory_space<vmem>>) dst(%dma_wait3A_46 : memref<16x128xf32, #tpu.memory_space<vmem_shared>>)
        tpu.yield
      }) : () -> ()
    } else {
    }
    %barrier3A = arith.constant 0 : index
    tpu.barrier barrier_id(%barrier3A)
    %scan3A_12 = arith.constant 0 : i32
    %scan3A_13 = arith.constant 79 : i32
    %scan3A_14 = arith.addi %scan3A_12, %scan3A_13 : i32
    %scan3A_15 = arith.constant 1 : i32
    scf.for %scan3A_28 = %scan3A_12 to %scan3A_14 step %scan3A_15  : i32 {
      %mul3A_29 = arith.constant 1 : i32
      %mul3A_30 = arith.muli %scan3A_28, %mul3A_29 : i32
      %add3A_31 = arith.constant 0 : i32
      %add3A_32 = arith.addi %add3A_31, %mul3A_30 : i32
      %mul3A_33 = arith.constant 32 : i32
      %mul3A_34 = arith.muli %add3A_32, %mul3A_33 : i32
      %add3A_35 = arith.addi %mul3A_34, %add3A : i32
      %lt3A = arith.constant 2500 : i32
      %lt3A_36 = arith.cmpi slt, %add3A_35, %lt3A : i32
      %convert_element_type3A_37 = arith.extui %lt3A_36 : i1 to i32
      %cond3A_38 = arith.constant 0 : i32
      %cond3A_39 = arith.cmpi ne, %convert_element_type3A_37, %cond3A_38 : i32
      scf.if %cond3A_39 {
        %mul3A_40 = arith.constant 128 : i32
        %mul3A_41 = arith.muli %add3A_35, %mul3A_40 : i32
        "tpu.region"() ({
          %run_scoped3A = tpu.sem_alloc : memref<!tpu.dma_semaphore, #tpu.memory_space<semaphore_mem>>
          %dma_start3A_46 = tpu.memref_slice %arg2[%mul3A_41] : memref<320000xi32, #tpu.memory_space<hbm>> -> memref<128xi32, #tpu.memory_space<hbm>>
          %dma_start3A_47 = tpu.memref_slice %arg2[%mul3A_41] : memref<320000xi32, #tpu.memory_space<hbm>> -> memref<128xi32, #tpu.memory_space<hbm>>
          tpu.enqueue_dma source(%dma_start3A_47 : memref<128xi32, #tpu.memory_space<hbm>>) target(%arg6 : memref<128xi32, #tpu.memory_space<vmem>>) target_semaphore(%run_scoped3A : memref<!tpu.dma_semaphore, #tpu.memory_space<semaphore_mem>>)
          %dma_wait3A_48 = tpu.memref_slice %arg2[%mul3A_41] : memref<320000xi32, #tpu.memory_space<hbm>> -> memref<128xi32, #tpu.memory_space<hbm>>
          %dma_wait3A_49 = tpu.memref_slice %arg2[%mul3A_41] : memref<320000xi32, #tpu.memory_space<hbm>> -> memref<128xi32, #tpu.memory_space<hbm>>
          tpu.wait_dma2 semaphore(%run_scoped3A : memref<!tpu.dma_semaphore, #tpu.memory_space<semaphore_mem>>) src(%dma_wait3A_49 : memref<128xi32, #tpu.memory_space<hbm>>) dst(%arg6 : memref<128xi32, #tpu.memory_space<vmem>>)
          tpu.yield
        }) : () -> ()
        "tpu.region"() ({
          %run_scoped3A = tpu.sem_alloc : memref<!tpu.dma_semaphore, #tpu.memory_space<semaphore_mem>>
          %dma_start3A_46 = tpu.memref_slice %arg3[%mul3A_41] : memref<320000xi32, #tpu.memory_space<hbm>> -> memref<128xi32, #tpu.memory_space<hbm>>
          %dma_start3A_47 = tpu.memref_slice %arg3[%mul3A_41] : memref<320000xi32, #tpu.memory_space<hbm>> -> memref<128xi32, #tpu.memory_space<hbm>>
          tpu.enqueue_dma source(%dma_start3A_47 : memref<128xi32, #tpu.memory_space<hbm>>) target(%arg7 : memref<128xi32, #tpu.memory_space<vmem>>) target_semaphore(%run_scoped3A : memref<!tpu.dma_semaphore, #tpu.memory_space<semaphore_mem>>)
          %dma_wait3A_48 = tpu.memref_slice %arg3[%mul3A_41] : memref<320000xi32, #tpu.memory_space<hbm>> -> memref<128xi32, #tpu.memory_space<hbm>>
          %dma_wait3A_49 = tpu.memref_slice %arg3[%mul3A_41] : memref<320000xi32, #tpu.memory_space<hbm>> -> memref<128xi32, #tpu.memory_space<hbm>>
          tpu.wait_dma2 semaphore(%run_scoped3A : memref<!tpu.dma_semaphore, #tpu.memory_space<semaphore_mem>>) src(%dma_wait3A_49 : memref<128xi32, #tpu.memory_space<hbm>>) dst(%arg7 : memref<128xi32, #tpu.memory_space<vmem>>)
          tpu.yield
        }) : () -> ()
        %dma_start3A = arith.constant 0 : i32
        %dma_start3A_42 = arith.constant 0 : i32
        %dma_start3A_43 = tpu.memref_slice %arg4[%dma_start3A, %dma_start3A_42] : memref<10000x128xf32, #tpu.memory_space<hbm>> -> memref<10000x128xf32, #tpu.memory_space<hbm>>
        tpu.enqueue_indirect_dma source(%dma_start3A_43 : memref<10000x128xf32, #tpu.memory_space<hbm>>) target(%arg8 : memref<128x128xf32, #tpu.memory_space<vmem>>) offsets(%arg6 : memref<128xi32, #tpu.memory_space<vmem>>) semaphore(%arg11 : memref<!tpu.dma_semaphore, #tpu.memory_space<semaphore_mem>>)
        %dma_wait3A = arith.constant 0 : i32
        %dma_wait3A_44 = arith.constant 0 : i32
        %dma_wait3A_45 = tpu.memref_slice %arg4[%dma_wait3A, %dma_wait3A_44] : memref<10000x128xf32, #tpu.memory_space<hbm>> -> memref<10000x128xf32, #tpu.memory_space<hbm>>
        tpu.wait_indirect_dma semaphore(%arg11 : memref<!tpu.dma_semaphore, #tpu.memory_space<semaphore_mem>>) src(%dma_wait3A_45 : memref<10000x128xf32, #tpu.memory_space<hbm>>) dst(%arg8 : memref<128x128xf32, #tpu.memory_space<vmem>>)
        "tpu.region"() ({
          %run_scoped3A = tpu.sem_alloc : memref<!tpu.dma_semaphore, #tpu.memory_space<semaphore_mem>>
          %dma_start3A_46 = arith.constant 0 : i32
          %dma_start3A_47 = arith.constant 0 : i32
          %dma_start3A_48 = tpu.memref_slice %arg10[%dma_start3A_46, %dma_start3A_47] : memref<10000x128xf32, #tpu.memory_space<vmem_shared>> -> memref<10000x128xf32, #tpu.memory_space<vmem_shared>>
          tpu.enqueue_indirect_dma source(%arg8 : memref<128x128xf32, #tpu.memory_space<vmem>>) target(%dma_start3A_48 : memref<10000x128xf32, #tpu.memory_space<vmem_shared>>) offsets(%arg7 : memref<128xi32, #tpu.memory_space<vmem>>) semaphore(%run_scoped3A : memref<!tpu.dma_semaphore, #tpu.memory_space<semaphore_mem>>) {add = true}
          %dma_wait3A_49 = arith.constant 0 : i32
          %dma_wait3A_50 = arith.constant 0 : i32
          %dma_wait3A_51 = tpu.memref_slice %arg10[%dma_wait3A_49, %dma_wait3A_50] : memref<10000x128xf32, #tpu.memory_space<vmem_shared>> -> memref<10000x128xf32, #tpu.memory_space<vmem_shared>>
          tpu.wait_indirect_dma semaphore(%run_scoped3A : memref<!tpu.dma_semaphore, #tpu.memory_space<semaphore_mem>>) src(%arg8 : memref<128x128xf32, #tpu.memory_space<vmem>>) dst(%dma_wait3A_51 : memref<10000x128xf32, #tpu.memory_space<vmem_shared>>)
          tpu.yield
        }) : () -> ()
      } else {
      }
    }
    %scan3A_16 = arith.constant 79 : i32
    %barrier3A_17 = arith.constant 0 : index
    tpu.barrier barrier_id(%barrier3A_17)
    %scan3A_18 = arith.constant 0 : i32
    %scan3A_19 = arith.constant 3 : i32
    %scan3A_20 = arith.addi %scan3A_18, %scan3A_19 : i32
    %scan3A_21 = arith.constant 1 : i32
    scf.for %scan3A_28 = %scan3A_18 to %scan3A_20 step %scan3A_21  : i32 {
      %mul3A_29 = arith.constant 1 : i32
      %mul3A_30 = arith.muli %scan3A_28, %mul3A_29 : i32
      %add3A_31 = arith.constant 0 : i32
      %add3A_32 = arith.addi %add3A_31, %mul3A_30 : i32
      %mul3A_33 = arith.constant 624 : i32
      %mul3A_34 = arith.muli %arg1, %mul3A_33 : i32
      %mul3A_35 = arith.constant 208 : i32
      %mul3A_36 = arith.muli %add3A_32, %mul3A_35 : i32
      %add3A_37 = arith.addi %mul3A_34, %mul3A_36 : i32
      "tpu.region"() ({
        %run_scoped3A = tpu.sem_alloc : memref<!tpu.dma_semaphore, #tpu.memory_space<semaphore_mem>>
        %dma_start3A = arith.constant 0 : i32
        %dma_start3A_38 = tpu.memref_slice %arg5[%arg0, %add3A_37, %dma_start3A] : memref<2x10000x128xf32, #tpu.memory_space<hbm>> -> memref<1x208x128xf32, #tpu.memory_space<hbm>>
        %dma_start3A_39 = tpu.memref_squeeze %dma_start3A_38 : memref<1x208x128xf32, #tpu.memory_space<hbm>> -> memref<208x128xf32, #tpu.memory_space<hbm>>
        %dma_start3A_40 = arith.constant 0 : i32
        %dma_start3A_41 = tpu.memref_slice %arg10[%add3A_37, %dma_start3A_40] : memref<10000x128xf32, #tpu.memory_space<vmem_shared>> -> memref<208x128xf32, #tpu.memory_space<vmem_shared>>
        tpu.enqueue_dma source(%dma_start3A_41 : memref<208x128xf32, #tpu.memory_space<vmem_shared>>) target(%dma_start3A_39 : memref<208x128xf32, #tpu.memory_space<hbm>>) target_semaphore(%run_scoped3A : memref<!tpu.dma_semaphore, #tpu.memory_space<semaphore_mem>>)
        %dma_wait3A = arith.constant 0 : i32
        %dma_wait3A_42 = tpu.memref_slice %arg5[%arg0, %add3A_37, %dma_wait3A] : memref<2x10000x128xf32, #tpu.memory_space<hbm>> -> memref<1x208x128xf32, #tpu.memory_space<hbm>>
        %dma_wait3A_43 = tpu.memref_squeeze %dma_wait3A_42 : memref<1x208x128xf32, #tpu.memory_space<hbm>> -> memref<208x128xf32, #tpu.memory_space<hbm>>
        %dma_wait3A_44 = arith.constant 0 : i32
        %dma_wait3A_45 = tpu.memref_slice %arg10[%add3A_37, %dma_wait3A_44] : memref<10000x128xf32, #tpu.memory_space<vmem_shared>> -> memref<208x128xf32, #tpu.memory_space<vmem_shared>>
        tpu.wait_dma2 semaphore(%run_scoped3A : memref<!tpu.dma_semaphore, #tpu.memory_space<semaphore_mem>>) src(%dma_wait3A_45 : memref<208x128xf32, #tpu.memory_space<vmem_shared>>) dst(%dma_wait3A_43 : memref<208x128xf32, #tpu.memory_space<hbm>>)
        tpu.yield
      }) : () -> ()
    }
    %scan3A_22 = arith.constant 3 : i32
    %eq3A_23 = arith.constant 15 : i32
    %eq3A_24 = arith.cmpi eq, %arg1, %eq3A_23 : i32
    %convert_element_type3A_25 = arith.extui %eq3A_24 : i1 to i32
    %cond3A_26 = arith.constant 0 : i32
    %cond3A_27 = arith.cmpi ne, %convert_element_type3A_25, %cond3A_26 : i32
    scf.if %cond3A_27 {
      "tpu.region"() ({
        %run_scoped3A = tpu.sem_alloc : memref<!tpu.dma_semaphore, #tpu.memory_space<semaphore_mem>>
        %dma_start3A = arith.constant 9984 : i32
        %dma_start3A_28 = arith.constant 0 : i32
        %dma_start3A_29 = tpu.memref_slice %arg5[%arg0, %dma_start3A, %dma_start3A_28] : memref<2x10000x128xf32, #tpu.memory_space<hbm>> -> memref<1x16x128xf32, #tpu.memory_space<hbm>>
        %dma_start3A_30 = tpu.memref_squeeze %dma_start3A_29 : memref<1x16x128xf32, #tpu.memory_space<hbm>> -> memref<16x128xf32, #tpu.memory_space<hbm>>
        %dma_start3A_31 = arith.constant 9984 : i32
        %dma_start3A_32 = arith.constant 0 : i32
        %dma_start3A_33 = tpu.memref_slice %arg10[%dma_start3A_31, %dma_start3A_32] : memref<10000x128xf32, #tpu.memory_space<vmem_shared>> -> memref<16x128xf32, #tpu.memory_space<vmem_shared>>
        tpu.enqueue_dma source(%dma_start3A_33 : memref<16x128xf32, #tpu.memory_space<vmem_shared>>) target(%dma_start3A_30 : memref<16x128xf32, #tpu.memory_space<hbm>>) target_semaphore(%run_scoped3A : memref<!tpu.dma_semaphore, #tpu.memory_space<semaphore_mem>>)
        %dma_wait3A = arith.constant 9984 : i32
        %dma_wait3A_34 = arith.constant 0 : i32
        %dma_wait3A_35 = tpu.memref_slice %arg5[%arg0, %dma_wait3A, %dma_wait3A_34] : memref<2x10000x128xf32, #tpu.memory_space<hbm>> -> memref<1x16x128xf32, #tpu.memory_space<hbm>>
        %dma_wait3A_36 = tpu.memref_squeeze %dma_wait3A_35 : memref<1x16x128xf32, #tpu.memory_space<hbm>> -> memref<16x128xf32, #tpu.memory_space<hbm>>
        %dma_wait3A_37 = arith.constant 9984 : i32
        %dma_wait3A_38 = arith.constant 0 : i32
        %dma_wait3A_39 = tpu.memref_slice %arg10[%dma_wait3A_37, %dma_wait3A_38] : memref<10000x128xf32, #tpu.memory_space<vmem_shared>> -> memref<16x128xf32, #tpu.memory_space<vmem_shared>>
        tpu.wait_dma2 semaphore(%run_scoped3A : memref<!tpu.dma_semaphore, #tpu.memory_space<semaphore_mem>>) src(%dma_wait3A_39 : memref<16x128xf32, #tpu.memory_space<vmem_shared>>) dst(%dma_wait3A_36 : memref<16x128xf32, #tpu.memory_space<hbm>>)
        tpu.yield
      }) : () -> ()
    } else {
    }
    return
  }
}

module attributes {stable_mosaic.version = 14 : i64} {
  func.func @body(%arg0: i32, %arg1: memref<2x400x128xf32, #tpu.memory_space<vmem>>, %arg2: memref<2x400x16xf32, #tpu.memory_space<vmem>>, %arg3: memref<400x128xf32, #tpu.memory_space<vmem>>, %arg4: memref<128x128xf32, #tpu.memory_space<vmem>>, %arg5: memref<1x128xf32, #tpu.memory_space<vmem>>, %arg6: memref<400x128xf32, #tpu.memory_space<vmem>>, %arg7: memref<400x128xf32, #tpu.memory_space<vmem>>) attributes {dimension_semantics = [#tpu.dimension_semantics<arbitrary>], iteration_bounds = array<i64: 25>, scalar_prefetch = 0 : i64, scratch_operands = 0 : i64, tpu.core_type = #tpu.core_type<tc>, window_params = [{transform_indices = @transform_0, window_bounds = array<i64: 2, 400, 128>}, {transform_indices = @transform_1, window_bounds = array<i64: 2, 400, 16>}, {transform_indices = @transform_2, window_bounds = array<i64: 400, 128>}, {pipeline_mode = #tpu.pipeline_mode<synchronous>, transform_indices = @transform_3, window_bounds = array<i64: 128, 128>}, {pipeline_mode = #tpu.pipeline_mode<synchronous>, transform_indices = @transform_4, window_bounds = array<i64: 1, 128>}, {transform_indices = @transform_5, window_bounds = array<i64: 400, 128>}, {transform_indices = @transform_6, window_bounds = array<i64: 400, 128>}]} {
    %get3A = arith.constant 0 : index
    %get3A_0 = arith.constant 0 : index
    %get3A_1 = arith.constant 0 : index
    %get3A_2 = vector.load %arg2[%get3A, %get3A_0, %get3A_1] : memref<2x400x16xf32, #tpu.memory_space<vmem>>, vector<2x400x16xf32>
    %slice3A = vector.extract_strided_slice %get3A_2 {offsets = [0, 0, 0], sizes = [1, 400, 1], strides = [1, 1, 1]} : vector<2x400x16xf32> to vector<1x400x1xf32>
    %squeeze3A = vector.shape_cast %slice3A : vector<1x400x1xf32> to vector<400x1xf32>
    %slice3A_3 = vector.extract_strided_slice %get3A_2 {offsets = [1, 0, 0], sizes = [1, 400, 1], strides = [1, 1, 1]} : vector<2x400x16xf32> to vector<1x400x1xf32>
    %squeeze3A_4 = vector.shape_cast %slice3A_3 : vector<1x400x1xf32> to vector<400x1xf32>
    %add3A = arith.addf %squeeze3A, %squeeze3A_4 : vector<400x1xf32>
    %add3A_5 = arith.constant 1.000000e+00 : f32
    %add3A_6 = vector.broadcast %add3A_5 : f32 to vector<400x1xf32>
    %add3A_7 = arith.addf %add3A, %add3A_6 : vector<400x1xf32>
    %rsqrt3A = math.rsqrt %add3A_7 : vector<400x1xf32>
    %div3A = arith.constant 1.000000e+00 : f32
    %div3A_8 = vector.broadcast %div3A : f32 to vector<400x1xf32>
    %div3A_9 = arith.divf %div3A_8, %add3A_7 : vector<400x1xf32>
    %get3A_10 = arith.constant 0 : index
    %get3A_11 = arith.constant 0 : index
    %get3A_12 = arith.constant 0 : index
    %get3A_13 = vector.load %arg1[%get3A_10, %get3A_11, %get3A_12] : memref<2x400x128xf32, #tpu.memory_space<vmem>>, vector<1x400x128xf32>
    %get3A_14 = vector.shape_cast %get3A_13 : vector<1x400x128xf32> to vector<400x128xf32>
    %get3A_15 = arith.constant 1 : index
    %get3A_16 = arith.constant 0 : index
    %get3A_17 = arith.constant 0 : index
    %get3A_18 = vector.load %arg1[%get3A_15, %get3A_16, %get3A_17] : memref<2x400x128xf32, #tpu.memory_space<vmem>>, vector<1x400x128xf32>
    %get3A_19 = vector.shape_cast %get3A_18 : vector<1x400x128xf32> to vector<400x128xf32>
    %add3A_20 = arith.addf %get3A_14, %get3A_19 : vector<400x128xf32>
    %mul3A = vector.broadcast %rsqrt3A : vector<400x1xf32> to vector<400x128xf32>
    %mul3A_21 = arith.mulf %mul3A, %add3A_20 : vector<400x128xf32>
    %get3A_22 = arith.constant 0 : index
    %get3A_23 = arith.constant 0 : index
    %get3A_24 = vector.load %arg3[%get3A_22, %get3A_23] : memref<400x128xf32, #tpu.memory_space<vmem>>, vector<400x128xf32>
    %add3A_25 = arith.addf %mul3A_21, %get3A_24 : vector<400x128xf32>
    %max3A = arith.constant 0.000000e+00 : f32
    %max3A_26 = vector.broadcast %max3A : f32 to vector<400x128xf32>
    %max3A_27 = arith.maximumf %add3A_25, %max3A_26 : vector<400x128xf32>
    %get3A_28 = arith.constant 0 : index
    %get3A_29 = arith.constant 0 : index
    %get3A_30 = vector.load %arg4[%get3A_28, %get3A_29] : memref<128x128xf32, #tpu.memory_space<vmem>>, vector<128x128xf32>
    %dot_general3A = arith.constant dense<0.000000e+00> : vector<400x128xf32>
    %dot_general3A_31 = tpu.matmul %max3A_27, %get3A_30, %dot_general3A {dimension_numbers = #tpu.dot_dimension_numbers<[1], [0], [0], [1], [0, 0, 1, 1], [], []>, transpose_lhs_hint = false} : vector<400x128xf32>, vector<128x128xf32>, vector<400x128xf32> -> vector<400x128xf32>
    %mul3A_32 = vector.broadcast %rsqrt3A : vector<400x1xf32> to vector<400x128xf32>
    %mul3A_33 = arith.mulf %mul3A_32, %dot_general3A_31 : vector<400x128xf32>
    %swap3A = arith.constant 0 : index
    %swap3A_34 = arith.constant 0 : index
    %swap3A_35 = vector.load %arg6[%swap3A, %swap3A_34] : memref<400x128xf32, #tpu.memory_space<vmem>>, vector<400x128xf32>
    tpu.vector_store %arg6[%swap3A, %swap3A_34], %mul3A_33 {strides = array<i32>} : memref<400x128xf32, #tpu.memory_space<vmem>>, vector<400x128xf32>,
    %mul3A_36 = vector.broadcast %div3A_9 : vector<400x1xf32> to vector<400x128xf32>
    %mul3A_37 = arith.mulf %mul3A_36, %dot_general3A_31 : vector<400x128xf32>
    %get3A_38 = arith.constant 0 : index
    %get3A_39 = arith.constant 0 : index
    %get3A_40 = vector.load %arg5[%get3A_38, %get3A_39] : memref<1x128xf32, #tpu.memory_space<vmem>>, vector<1x128xf32>
    %add3A_41 = vector.broadcast %get3A_40 : vector<1x128xf32> to vector<400x128xf32>
    %add3A_42 = arith.addf %mul3A_37, %add3A_41 : vector<400x128xf32>
    %swap3A_43 = arith.constant 0 : index
    %swap3A_44 = arith.constant 0 : index
    %swap3A_45 = vector.load %arg7[%swap3A_43, %swap3A_44] : memref<400x128xf32, #tpu.memory_space<vmem>>, vector<400x128xf32>
    tpu.vector_store %arg7[%swap3A_43, %swap3A_44], %add3A_42 {strides = array<i32>} : memref<400x128xf32, #tpu.memory_space<vmem>>, vector<400x128xf32>,
    return
  }
  func.func @transform_0(%arg0: i32) -> (i32, i32, i32) {
    %c0_i32 = arith.constant 0 : i32
    %c0_i32_0 = arith.constant 0 : i32
    %c0_i32_1 = arith.constant 0 : i32
    return %c0_i32, %arg0, %c0_i32_0 : i32, i32, i32
  }
  func.func @transform_1(%arg0: i32) -> (i32, i32, i32) {
    %c0_i32 = arith.constant 0 : i32
    %c0_i32_0 = arith.constant 0 : i32
    %c0_i32_1 = arith.constant 0 : i32
    return %c0_i32, %arg0, %c0_i32_0 : i32, i32, i32
  }
  func.func @transform_2(%arg0: i32) -> (i32, i32) {
    %c0_i32 = arith.constant 0 : i32
    %c0_i32_0 = arith.constant 0 : i32
    return %arg0, %c0_i32 : i32, i32
  }
  func.func @transform_3(%arg0: i32) -> (i32, i32) {
    %c0_i32 = arith.constant 0 : i32
    %c0_i32_0 = arith.constant 0 : i32
    %c0_i32_1 = arith.constant 0 : i32
    return %c0_i32, %c0_i32_0 : i32, i32
  }
  func.func @transform_4(%arg0: i32) -> (i32, i32) {
    %c0_i32 = arith.constant 0 : i32
    %c0_i32_0 = arith.constant 0 : i32
    %c0_i32_1 = arith.constant 0 : i32
    return %c0_i32, %c0_i32_0 : i32, i32
  }
  func.func @transform_5(%arg0: i32) -> (i32, i32) {
    %c0_i32 = arith.constant 0 : i32
    %c0_i32_0 = arith.constant 0 : i32
    return %arg0, %c0_i32 : i32, i32
  }
  func.func @transform_6(%arg0: i32) -> (i32, i32) {
    %c0_i32 = arith.constant 0 : i32
    %c0_i32_0 = arith.constant 0 : i32
    return %arg0, %c0_i32 : i32, i32
  }
}

module attributes {stable_mosaic.version = 14 : i64} {
  func.func @body(%arg0: i32, %arg1: memref<400x128xf32, #tpu.memory_space<vmem>>, %arg2: memref<128x128xf32, #tpu.memory_space<vmem>>, %arg3: memref<1x128xf32, #tpu.memory_space<vmem>>, %arg4: memref<2x400x16xf32, #tpu.memory_space<vmem>>, %arg5: memref<400x128xf32, #tpu.memory_space<vmem>>, %arg6: memref<400x128xf32, #tpu.memory_space<vmem>>) attributes {dimension_semantics = [#tpu.dimension_semantics<arbitrary>], iteration_bounds = array<i64: 25>, scalar_prefetch = 0 : i64, scratch_operands = 0 : i64, tpu.core_type = #tpu.core_type<tc>, window_params = [{transform_indices = @transform_0, window_bounds = array<i64: 400, 128>}, {pipeline_mode = #tpu.pipeline_mode<synchronous>, transform_indices = @transform_1, window_bounds = array<i64: 128, 128>}, {pipeline_mode = #tpu.pipeline_mode<synchronous>, transform_indices = @transform_2, window_bounds = array<i64: 1, 128>}, {transform_indices = @transform_3, window_bounds = array<i64: 2, 400, 16>}, {transform_indices = @transform_4, window_bounds = array<i64: 400, 128>}, {transform_indices = @transform_5, window_bounds = array<i64: 400, 128>}]} {
    %get3A = arith.constant 0 : index
    %get3A_0 = arith.constant 0 : index
    %get3A_1 = arith.constant 0 : index
    %get3A_2 = vector.load %arg4[%get3A, %get3A_0, %get3A_1] : memref<2x400x16xf32, #tpu.memory_space<vmem>>, vector<2x400x16xf32>
    %slice3A = vector.extract_strided_slice %get3A_2 {offsets = [0, 0, 0], sizes = [1, 400, 1], strides = [1, 1, 1]} : vector<2x400x16xf32> to vector<1x400x1xf32>
    %squeeze3A = vector.shape_cast %slice3A : vector<1x400x1xf32> to vector<400x1xf32>
    %slice3A_3 = vector.extract_strided_slice %get3A_2 {offsets = [1, 0, 0], sizes = [1, 400, 1], strides = [1, 1, 1]} : vector<2x400x16xf32> to vector<1x400x1xf32>
    %squeeze3A_4 = vector.shape_cast %slice3A_3 : vector<1x400x1xf32> to vector<400x1xf32>
    %add3A = arith.addf %squeeze3A, %squeeze3A_4 : vector<400x1xf32>
    %add3A_5 = arith.constant 1.000000e+00 : f32
    %add3A_6 = vector.broadcast %add3A_5 : f32 to vector<400x1xf32>
    %add3A_7 = arith.addf %add3A, %add3A_6 : vector<400x1xf32>
    %rsqrt3A = math.rsqrt %add3A_7 : vector<400x1xf32>
    %div3A = arith.constant 1.000000e+00 : f32
    %div3A_8 = vector.broadcast %div3A : f32 to vector<400x1xf32>
    %div3A_9 = arith.divf %div3A_8, %add3A_7 : vector<400x1xf32>
    %get3A_10 = arith.constant 0 : index
    %get3A_11 = arith.constant 0 : index
    %get3A_12 = vector.load %arg1[%get3A_10, %get3A_11] : memref<400x128xf32, #tpu.memory_space<vmem>>, vector<400x128xf32>
    %get3A_13 = arith.constant 0 : index
    %get3A_14 = arith.constant 0 : index
    %get3A_15 = vector.load %arg2[%get3A_13, %get3A_14] : memref<128x128xf32, #tpu.memory_space<vmem>>, vector<128x128xf32>
    %dot_general3A = arith.constant dense<0.000000e+00> : vector<400x128xf32>
    %dot_general3A_16 = tpu.matmul %get3A_12, %get3A_15, %dot_general3A {dimension_numbers = #tpu.dot_dimension_numbers<[1], [0], [0], [1], [0, 0, 1, 1], [], []>, transpose_lhs_hint = false} : vector<400x128xf32>, vector<128x128xf32>, vector<400x128xf32> -> vector<400x128xf32>
    %mul3A = vector.broadcast %rsqrt3A : vector<400x1xf32> to vector<400x128xf32>
    %mul3A_17 = arith.mulf %mul3A, %dot_general3A_16 : vector<400x128xf32>
    %swap3A = arith.constant 0 : index
    %swap3A_18 = arith.constant 0 : index
    %swap3A_19 = vector.load %arg5[%swap3A, %swap3A_18] : memref<400x128xf32, #tpu.memory_space<vmem>>, vector<400x128xf32>
    tpu.vector_store %arg5[%swap3A, %swap3A_18], %mul3A_17 {strides = array<i32>} : memref<400x128xf32, #tpu.memory_space<vmem>>, vector<400x128xf32>,
    %mul3A_20 = vector.broadcast %div3A_9 : vector<400x1xf32> to vector<400x128xf32>
    %mul3A_21 = arith.mulf %mul3A_20, %dot_general3A_16 : vector<400x128xf32>
    %get3A_22 = arith.constant 0 : index
    %get3A_23 = arith.constant 0 : index
    %get3A_24 = vector.load %arg3[%get3A_22, %get3A_23] : memref<1x128xf32, #tpu.memory_space<vmem>>, vector<1x128xf32>
    %add3A_25 = vector.broadcast %get3A_24 : vector<1x128xf32> to vector<400x128xf32>
    %add3A_26 = arith.addf %mul3A_21, %add3A_25 : vector<400x128xf32>
    %swap3A_27 = arith.constant 0 : index
    %swap3A_28 = arith.constant 0 : index
    %swap3A_29 = vector.load %arg6[%swap3A_27, %swap3A_28] : memref<400x128xf32, #tpu.memory_space<vmem>>, vector<400x128xf32>
    tpu.vector_store %arg6[%swap3A_27, %swap3A_28], %add3A_26 {strides = array<i32>} : memref<400x128xf32, #tpu.memory_space<vmem>>, vector<400x128xf32>,
    return
  }
  func.func @transform_0(%arg0: i32) -> (i32, i32) {
    %c0_i32 = arith.constant 0 : i32
    %c0_i32_0 = arith.constant 0 : i32
    return %arg0, %c0_i32 : i32, i32
  }
  func.func @transform_1(%arg0: i32) -> (i32, i32) {
    %c0_i32 = arith.constant 0 : i32
    %c0_i32_0 = arith.constant 0 : i32
    %c0_i32_1 = arith.constant 0 : i32
    return %c0_i32, %c0_i32_0 : i32, i32
  }
  func.func @transform_2(%arg0: i32) -> (i32, i32) {
    %c0_i32 = arith.constant 0 : i32
    %c0_i32_0 = arith.constant 0 : i32
    %c0_i32_1 = arith.constant 0 : i32
    return %c0_i32, %c0_i32_0 : i32, i32
  }
  func.func @transform_3(%arg0: i32) -> (i32, i32, i32) {
    %c0_i32 = arith.constant 0 : i32
    %c0_i32_0 = arith.constant 0 : i32
    %c0_i32_1 = arith.constant 0 : i32
    return %c0_i32, %arg0, %c0_i32_0 : i32, i32, i32
  }
  func.func @transform_4(%arg0: i32) -> (i32, i32) {
    %c0_i32 = arith.constant 0 : i32
    %c0_i32_0 = arith.constant 0 : i32
    return %arg0, %c0_i32 : i32, i32
  }
  func.func @transform_5(%arg0: i32) -> (i32, i32) {
    %c0_i32 = arith.constant 0 : i32
    %c0_i32_0 = arith.constant 0 : i32
    return %arg0, %c0_i32 : i32, i32
  }
}

module attributes {stable_mosaic.version = 14 : i64} {
  func.func @body(%arg0: i32, %arg1: memref<2x400x128xf32, #tpu.memory_space<vmem>>, %arg2: memref<2x400x16xf32, #tpu.memory_space<vmem>>, %arg3: memref<400x128xf32, #tpu.memory_space<vmem>>, %arg4: memref<128x128xf32, #tpu.memory_space<vmem>>, %arg5: memref<1x128xf32, #tpu.memory_space<vmem>>, %arg6: memref<128x128xf32, #tpu.memory_space<vmem>>, %arg7: memref<1x128xf32, #tpu.memory_space<vmem>>, %arg8: memref<400x128xf32, #tpu.memory_space<vmem>>, %arg9: memref<400x128xf32, #tpu.memory_space<vmem>>) attributes {dimension_semantics = [#tpu.dimension_semantics<arbitrary>], iteration_bounds = array<i64: 25>, scalar_prefetch = 0 : i64, scratch_operands = 0 : i64, tpu.core_type = #tpu.core_type<tc>, window_params = [{transform_indices = @transform_0, window_bounds = array<i64: 2, 400, 128>}, {transform_indices = @transform_1, window_bounds = array<i64: 2, 400, 16>}, {transform_indices = @transform_2, window_bounds = array<i64: 400, 128>}, {pipeline_mode = #tpu.pipeline_mode<synchronous>, transform_indices = @transform_3, window_bounds = array<i64: 128, 128>}, {pipeline_mode = #tpu.pipeline_mode<synchronous>, transform_indices = @transform_4, window_bounds = array<i64: 1, 128>}, {pipeline_mode = #tpu.pipeline_mode<synchronous>, transform_indices = @transform_5, window_bounds = array<i64: 128, 128>}, {pipeline_mode = #tpu.pipeline_mode<synchronous>, transform_indices = @transform_6, window_bounds = array<i64: 1, 128>}, {transform_indices = @transform_7, window_bounds = array<i64: 400, 128>}, {transform_indices = @transform_8, window_bounds = array<i64: 400, 128>}]} {
    %get3A = arith.constant 0 : index
    %get3A_0 = arith.constant 0 : index
    %get3A_1 = arith.constant 0 : index
    %get3A_2 = vector.load %arg2[%get3A, %get3A_0, %get3A_1] : memref<2x400x16xf32, #tpu.memory_space<vmem>>, vector<2x400x16xf32>
    %slice3A = vector.extract_strided_slice %get3A_2 {offsets = [0, 0, 0], sizes = [1, 400, 1], strides = [1, 1, 1]} : vector<2x400x16xf32> to vector<1x400x1xf32>
    %squeeze3A = vector.shape_cast %slice3A : vector<1x400x1xf32> to vector<400x1xf32>
    %slice3A_3 = vector.extract_strided_slice %get3A_2 {offsets = [1, 0, 0], sizes = [1, 400, 1], strides = [1, 1, 1]} : vector<2x400x16xf32> to vector<1x400x1xf32>
    %squeeze3A_4 = vector.shape_cast %slice3A_3 : vector<1x400x1xf32> to vector<400x1xf32>
    %add3A = arith.addf %squeeze3A, %squeeze3A_4 : vector<400x1xf32>
    %add3A_5 = arith.constant 1.000000e+00 : f32
    %add3A_6 = vector.broadcast %add3A_5 : f32 to vector<400x1xf32>
    %add3A_7 = arith.addf %add3A, %add3A_6 : vector<400x1xf32>
    %rsqrt3A = math.rsqrt %add3A_7 : vector<400x1xf32>
    %get3A_8 = arith.constant 0 : index
    %get3A_9 = arith.constant 0 : index
    %get3A_10 = arith.constant 0 : index
    %get3A_11 = vector.load %arg1[%get3A_8, %get3A_9, %get3A_10] : memref<2x400x128xf32, #tpu.memory_space<vmem>>, vector<1x400x128xf32>
    %get3A_12 = vector.shape_cast %get3A_11 : vector<1x400x128xf32> to vector<400x128xf32>
    %get3A_13 = arith.constant 1 : index
    %get3A_14 = arith.constant 0 : index
    %get3A_15 = arith.constant 0 : index
    %get3A_16 = vector.load %arg1[%get3A_13, %get3A_14, %get3A_15] : memref<2x400x128xf32, #tpu.memory_space<vmem>>, vector<1x400x128xf32>
    %get3A_17 = vector.shape_cast %get3A_16 : vector<1x400x128xf32> to vector<400x128xf32>
    %add3A_18 = arith.addf %get3A_12, %get3A_17 : vector<400x128xf32>
    %mul3A = vector.broadcast %rsqrt3A : vector<400x1xf32> to vector<400x128xf32>
    %mul3A_19 = arith.mulf %mul3A, %add3A_18 : vector<400x128xf32>
    %get3A_20 = arith.constant 0 : index
    %get3A_21 = arith.constant 0 : index
    %get3A_22 = vector.load %arg3[%get3A_20, %get3A_21] : memref<400x128xf32, #tpu.memory_space<vmem>>, vector<400x128xf32>
    %add3A_23 = arith.addf %mul3A_19, %get3A_22 : vector<400x128xf32>
    %swap3A = arith.constant 0 : index
    %swap3A_24 = arith.constant 0 : index
    %swap3A_25 = vector.load %arg8[%swap3A, %swap3A_24] : memref<400x128xf32, #tpu.memory_space<vmem>>, vector<400x128xf32>
    tpu.vector_store %arg8[%swap3A, %swap3A_24], %add3A_23 {strides = array<i32>} : memref<400x128xf32, #tpu.memory_space<vmem>>, vector<400x128xf32>,
    %get3A_26 = arith.constant 0 : index
    %get3A_27 = arith.constant 0 : index
    %get3A_28 = vector.load %arg4[%get3A_26, %get3A_27] : memref<128x128xf32, #tpu.memory_space<vmem>>, vector<128x128xf32>
    %dot_general3A = arith.constant dense<0.000000e+00> : vector<400x128xf32>
    %dot_general3A_29 = tpu.matmul %add3A_23, %get3A_28, %dot_general3A {dimension_numbers = #tpu.dot_dimension_numbers<[1], [0], [0], [1], [0, 0, 1, 1], [], []>, transpose_lhs_hint = false} : vector<400x128xf32>, vector<128x128xf32>, vector<400x128xf32> -> vector<400x128xf32>
    %get3A_30 = arith.constant 0 : index
    %get3A_31 = arith.constant 0 : index
    %get3A_32 = vector.load %arg5[%get3A_30, %get3A_31] : memref<1x128xf32, #tpu.memory_space<vmem>>, vector<1x128xf32>
    %add3A_33 = vector.broadcast %get3A_32 : vector<1x128xf32> to vector<400x128xf32>
    %add3A_34 = arith.addf %dot_general3A_29, %add3A_33 : vector<400x128xf32>
    %max3A = arith.constant 0.000000e+00 : f32
    %max3A_35 = vector.broadcast %max3A : f32 to vector<400x128xf32>
    %max3A_36 = arith.maximumf %add3A_34, %max3A_35 : vector<400x128xf32>
    %get3A_37 = arith.constant 0 : index
    %get3A_38 = arith.constant 0 : index
    %get3A_39 = vector.load %arg6[%get3A_37, %get3A_38] : memref<128x128xf32, #tpu.memory_space<vmem>>, vector<128x128xf32>
    %dot_general3A_40 = arith.constant dense<0.000000e+00> : vector<400x128xf32>
    %dot_general3A_41 = tpu.matmul %max3A_36, %get3A_39, %dot_general3A_40 {dimension_numbers = #tpu.dot_dimension_numbers<[1], [0], [0], [1], [0, 0, 1, 1], [], []>, transpose_lhs_hint = false} : vector<400x128xf32>, vector<128x128xf32>, vector<400x128xf32> -> vector<400x128xf32>
    %get3A_42 = arith.constant 0 : index
    %get3A_43 = arith.constant 0 : index
    %get3A_44 = vector.load %arg7[%get3A_42, %get3A_43] : memref<1x128xf32, #tpu.memory_space<vmem>>, vector<1x128xf32>
    %add3A_45 = vector.broadcast %get3A_44 : vector<1x128xf32> to vector<400x128xf32>
    %add3A_46 = arith.addf %dot_general3A_41, %add3A_45 : vector<400x128xf32>
    %swap3A_47 = arith.constant 0 : index
    %swap3A_48 = arith.constant 0 : index
    %swap3A_49 = vector.load %arg9[%swap3A_47, %swap3A_48] : memref<400x128xf32, #tpu.memory_space<vmem>>, vector<400x128xf32>
    tpu.vector_store %arg9[%swap3A_47, %swap3A_48], %add3A_46 {strides = array<i32>} : memref<400x128xf32, #tpu.memory_space<vmem>>, vector<400x128xf32>,
    return
  }
  func.func @transform_0(%arg0: i32) -> (i32, i32, i32) {
    %c0_i32 = arith.constant 0 : i32
    %c0_i32_0 = arith.constant 0 : i32
    %c0_i32_1 = arith.constant 0 : i32
    return %c0_i32, %arg0, %c0_i32_0 : i32, i32, i32
  }
  func.func @transform_1(%arg0: i32) -> (i32, i32, i32) {
    %c0_i32 = arith.constant 0 : i32
    %c0_i32_0 = arith.constant 0 : i32
    %c0_i32_1 = arith.constant 0 : i32
    return %c0_i32, %arg0, %c0_i32_0 : i32, i32, i32
  }
  func.func @transform_2(%arg0: i32) -> (i32, i32) {
    %c0_i32 = arith.constant 0 : i32
    %c0_i32_0 = arith.constant 0 : i32
    return %arg0, %c0_i32 : i32, i32
  }
  func.func @transform_3(%arg0: i32) -> (i32, i32) {
    %c0_i32 = arith.constant 0 : i32
    %c0_i32_0 = arith.constant 0 : i32
    %c0_i32_1 = arith.constant 0 : i32
    return %c0_i32, %c0_i32_0 : i32, i32
  }
  func.func @transform_4(%arg0: i32) -> (i32, i32) {
    %c0_i32 = arith.constant 0 : i32
    %c0_i32_0 = arith.constant 0 : i32
    %c0_i32_1 = arith.constant 0 : i32
    return %c0_i32, %c0_i32_0 : i32, i32
  }
  func.func @transform_5(%arg0: i32) -> (i32, i32) {
    %c0_i32 = arith.constant 0 : i32
    %c0_i32_0 = arith.constant 0 : i32
    %c0_i32_1 = arith.constant 0 : i32
    return %c0_i32, %c0_i32_0 : i32, i32
  }
  func.func @transform_6(%arg0: i32) -> (i32, i32) {
    %c0_i32 = arith.constant 0 : i32
    %c0_i32_0 = arith.constant 0 : i32
    %c0_i32_1 = arith.constant 0 : i32
    return %c0_i32, %c0_i32_0 : i32, i32
  }
  func.func @transform_7(%arg0: i32) -> (i32, i32) {
    %c0_i32 = arith.constant 0 : i32
    %c0_i32_0 = arith.constant 0 : i32
    return %arg0, %c0_i32 : i32, i32
  }
  func.func @transform_8(%arg0: i32) -> (i32, i32) {
    %c0_i32 = arith.constant 0 : i32
    %c0_i32_0 = arith.constant 0 : i32
    return %arg0, %c0_i32 : i32, i32
  }
}

</mosaic_0001>

<sc_bundles>
// kernel: kernel.11.cloned.1.call-start
scs
__scs_entry_jumppad:
0x0: {  	(pc) =	sbr.rel $0x88, $3  }
0x1: {  	(tag) =	ssettag $0x0;
	lr =	simm.s32 $0x1  }
0x2: {  	[smem:$0x3F97] =	sst lr;
	_ =	strace $0xD0000000  }
0x3: {  	_ = 	snop  }
0x4: {  	_ = 	snop  }
0x5: {  	_ = 	snop  }
0x6: {  	_ = 	snop  }
0x7: {  	_ = 	snop  }
__scs_overlays_trampoline_lowered:
0x8: {  	[smem:$0x3FA6] =	sst s0  }
0x9: {  	[smem:$0x3FA7] =	sst s1  }
0xa: {  	[smem:$0x3FA8] =	sst s2  }
0xb: {  	[smem:$0x3FA9] =	sst s3  }
0xc: {  	[smem:$0x3FAA] =	sst s4  }
0xd: {  	[smem:$0x3FAB] =	sst s5  }
0xe: {  	[smem:$0x3FAC] =	sst s6  }
0xf: {  	[smem:$0x3FAD] =	sst s7  }
0x10: {  	[smem:$0x3FAE] =	sst s8  }
0x11: {  	[smem:$0x3FAF] =	sst s9;
	s0 =	simm.s32 @!p0 $0x0  }
0x12: {  	s1 =	sld [smem:$0x3F95];
	s0 =	simm.s32 @p0 $0x1  }
0x13: {  	[smem:$0x3FB0] =	sst s0;
	s0 =	simm.s32 @!p1 $0x0  }
0x14: {  	s2 =	sld [smem:$0x3F94];
	s0 =	simm.s32 @p1 $0x1  }
0x15: {  	[smem:$0x3FB1] =	sst s0;
	s0 =	simm.s32 @!p2 $0x0  }
0x16: {  	s3 =	sld [smem:$0x3FDB];
	s0 =	simm.s32 @p2 $0x1  }
0x17: {  	s4 =	simm.s32 $0x1BF5;
	[smem:$0x3FB3] =	sst s0  }
0x18: {  	s0 =	sld [smem:$0x3F96];
	_ =	swait.ge [sflag:s4], $0x0  }
0x19: {  	s7 =	sld [smem:$0x3F97]  }
0x1a: {  	s8 =	sadd.s32 $0xFFFFE003, lr  }
0x1b: {  	s9 =	sadd.s32 $0xFFFFFEF7, lr;
	s5 =	simm.s32 $0xFFFFFFFF;
	p2 =	slt.u32 s8, $0xFFFFF086  }
0x1c: {  	p1 =	slt.u32 s9, $0xF7A;
	s5 =	simm.s32 @!p2 $0x0  }
0x1d: {  	s5 =	simm.s32 @p1 $0x1;
	p0 =	seq.s32 s7, s2  }
0x1e: {  	s7 =	smul.u32 @!p0 $0xF7A, s2;
	p2 =	seq.s32 @!p0 s5, $0x0  }
0x1f: {  	s9 =	smul.u32 $0xF7A, s1;
	s8 =	simm.s32 @!p0 $0x1BF5;
	p2 =	por !p2, p0  }
0x20: {  	[sflag:s8] =	ssyncset.s32 @!p0 $0xFFFFF086;
	s6 =	sadd.s32 @!p0 s3, s7;
	s7 =	simm.s32 @!p0 $0x108  }
0x21: {  	s3 =	sadd.s32 s3, s9;
	s6 =	sadd.s32 @!p0 $0x88, s6;
	s7 =	simm.s32 @p2 $0x1082  }
0x22: {  	[simem:s7], [sflag:s8] =	dma.local @!p0 [hbm:s6], $0xF7A  }
0x23: {  	s9 =	sor.u32 $0xD0000000, s2;
	s6 =	simm.s32 $0x108;
	_ =	swait.ge @!p0 [sflag:s8], $0x0  }
0x24: {  	s3 =	sadd.s32 $0x88, s3;
	s6 =	simm.s32 @!p1 $0x1082;
	[sflag:s4] =	ssyncset.s32 $0xFFFFF086  }
0x25: {  	[simem:s6], [sflag:s4] =	dma.local [hbm:s3], $0xF7A  }
0x26: {  	[smem:$0x3F97] =	sst s1;
	(tag) =	ssettag s2;
	_ =	strace s9  }
0x27: {  	s1 =	sld [smem:$0x3FA7]  }
0x28: {  	s2 =	sld [smem:$0x3FA8]  }
0x29: {  	s4 =	sld [smem:$0x3FAA]  }
0x2a: {  	p0 =	seq.s32 s5, $0x0;
	s5 =	sld [smem:$0x3FAB]  }
0x2b: {  	s6 =	sld [smem:$0x3FAC]  }
0x2c: {  	s7 =	sld [smem:$0x3FAD]  }
0x2d: {  	s3 =	simm.s32 $0x108;
	s8 =	sld [smem:$0x3FAE]  }
0x2e: {  	s3 =	simm.s32 @!p0 $0x1082;
	s9 =	sld [smem:$0x3FAF]  }
0x2f: {  	lr =	sadd.s32 s0, s3;
	s0 =	sld [smem:$0x3FA6]  }
0x30: {  	s3 =	sld [smem:$0x3FA9]  }
0x31: {  	[smem:$0x3FB2] =	sst s10  }
0x32: {  	s10 =	sld [smem:$0x3FB0];
	_ =	sdelay $0x3  }
0x33: {  	p0 =	seq.s32 s10, $0x1;
	s10 =	sld [smem:$0x3FB2];
	_ =	sdelay $0x3  }
0x34: {  	[smem:$0x3FB2] =	sst s10  }
0x35: {  	s10 =	sld [smem:$0x3FB1];
	_ =	sdelay $0x3  }
0x36: {  	p1 =	seq.s32 s10, $0x1;
	s10 =	sld [smem:$0x3FB2];
	_ =	sdelay $0x3  }
0x37: {  	[smem:$0x3FB2] =	sst s10  }
0x38: {  	s10 =	sld [smem:$0x3FB3]  }
0x39: {  	_ = 	snop;
	(pc) =	sbr.ind lr, $3  }
0x3a: {  	_ = 	snop  }
0x3b: {  	_ = 	snop  }
0x3c: {  	p2 =	seq.s32 s10, $0x1;
	s10 =	sld [smem:$0x3FB2]  }
0x3d: {  	_ =	shalt  }
0x3e: {  	_ =	shalt  }
0x3f: {  	_ =	shalt  }
0x40: {  	_ =	shalt  }
0x41: {  	_ =	shalt  }
0x42: {  	_ =	shalt  }
0x43: {  	_ =	shalt  }
0x44: {  	_ =	shalt  }
0x45: {  	_ =	shalt  }
0x46: {  	_ =	shalt  }
0x47: {  	_ =	shalt  }
0x48: {  	_ =	shalt  }
0x49: {  	_ =	shalt  }
0x4a: {  	_ =	shalt  }
0x4b: {  	_ =	shalt  }
0x4c: {  	_ =	shalt  }
0x4d: {  	_ =	shalt  }
0x4e: {  	_ =	shalt  }
0x4f: {  	_ =	shalt  }
0x50: {  	_ =	shalt  }
0x51: {  	_ =	shalt  }
0x52: {  	_ =	shalt  }
0x53: {  	_ =	shalt  }
0x54: {  	_ =	shalt  }
0x55: {  	_ =	shalt  }
0x56: {  	_ =	shalt  }
0x57: {  	_ =	shalt  }
0x58: {  	_ =	shalt  }
0x59: {  	_ =	shalt  }
0x5a: {  	_ =	shalt  }
0x5b: {  	_ =	shalt  }
0x5c: {  	_ =	shalt  }
0x5d: {  	_ =	shalt  }
0x5e: {  	_ =	shalt  }
0x5f: {  	_ =	shalt  }
0x60: {  	_ =	shalt  }
0x61: {  	_ =	shalt  }
0x62: {  	_ =	shalt  }
0x63: {  	_ =	shalt  }
0x64: {  	_ =	shalt  }
0x65: {  	_ =	shalt  }
0x66: {  	_ =	shalt  }
0x67: {  	_ =	shalt  }
0x68: {  	_ =	shalt  }
0x69: {  	_ =	shalt  }
0x6a: {  	_ =	shalt  }
0x6b: {  	_ =	shalt  }
0x6c: {  	_ =	shalt  }
0x6d: {  	_ =	shalt  }
0x6e: {  	_ =	shalt  }
0x6f: {  	_ =	shalt  }
0x70: {  	_ =	shalt  }
0x71: {  	_ =	shalt  }
0x72: {  	_ =	shalt  }
0x73: {  	_ =	shalt  }
0x74: {  	_ =	shalt  }
0x75: {  	_ =	shalt  }
0x76: {  	_ =	shalt  }
0x77: {  	_ =	shalt  }
0x78: {  	_ =	shalt  }
0x79: {  	_ =	shalt  }
0x7a: {  	_ =	shalt  }
0x7b: {  	_ =	shalt  }
0x7c: {  	_ =	shalt  }
0x7d: {  	_ =	shalt  }
0x7e: {  	_ =	shalt  }
0x7f: {  	_ =	shalt  }
0x80: {  	_ =	shalt  }
0x81: {  	_ =	shalt  }
0x82: {  	_ =	shalt  }
0x83: {  	_ =	shalt  }
0x84: {  	_ =	shalt  }
0x85: {  	_ =	shalt  }
0x86: {  	_ =	shalt  }
0x87: {  	_ =	shalt  }
.Lfunc_end0:
.L_simem_size_0:
called_computation.1_lowered:
.L_overlay_start_0:
0x88: {  	s2 =	sld [smem:$0x3FD9]  }
0x89: {  	s3 =	sld [smem:$0x3FFE];
	_ =	sdelay $0x1  }
0x8a: {  	s1 =	srdreg.scid  }
0x8b: {  	s0 =	sand.u32 $0x1, s1  }
0x8c: {  	s14 =	sshll.u32 s0, $0xA;
	s2 =	sadd.s32 s3, s2  }
0x8d: {  	s2 =	sadd.s32 s2, s14  }
0x8e: {  	[smem:$0x3FBE] =	sst s2  }
0x8f: {  	_ = 	snop  }
0x90: {  	s2 =	sld [smem:$0x3FD0];
	_ =	sdelay $0x2  }
0x91: {  	s15 =	simm.s32 $0xA;
	s4 =	simm.s32 $0x10  }
0x92: {  	[smem:s4], [sflag:s15] =	dma.local [hbm:s2], $0x1  }
0x93: {  	_ =	swait.eq [sflag:s15], $0x1  }
0x94: {  	[sflag:s15] =	ssyncset.done $0x0  }
0x95: {  	s16 =	sld [smem:$0x10];
	[sflag:s15] =	ssyncadd.s32 $0xFFFFFFFF  }
0x96: {  	s17 =	sld [smem:$0x11];
	(tm) =	ssettm $0x1  }
0x97: {  	s18 =	sld [smem:$0x3FFB];
	_ =	sdelay $0x3  }
0x98: {  	_ =	strace s18  }
0x99: {  	s4 =	sld [smem:$0x3FFC];
	_ =	sdelay $0x3  }
0x9a: {  	_ =	strace s4  }
0x9b: {  	s4 =	sld [smem:$0x3FFD];
	_ =	sdelay $0x3  }
0x9c: {  	_ =	strace s4  }
0x9d: {  	_ =	strace $0x8FFFFFFF  }
0x9e: {  	s19 =	sld [smem:$0x3FDB];
	_ =	sdelay $0x1  }
0x9f: {  	s5 =	simm.s32 $_scs_section_size  }
0xa0: {  	s6 =	simm.s32 $_size__tile_overlayer_lowered;
	s7 =	simm.s32 $_tile_overlayer_lowered  }
0xa1: {  	s22 =	simm.s32 $0x1BFF;
	s21 =	sshll.u32 s7, $0x1;
	s4 =	sadd.s32 s5, s19  }
0xa2: {  	s8 =	simm.s32 $0x0;
	s20 =	sshll.u32 s6, $0x1;
	s6 =	sadd.s32 s21, s4  }
0xa3: {  	[timem:s8], [sflag:s22] =	dma.local [hbm:s6], s20  }
0xa4: {  	_ =	swait.ge [sflag:s22], s20  }
0xa5: {  	s5 =	ssub.s32 $0x0, s20;
	[sflag:s22] =	ssyncset.done $0x0  }
0xa6: {  	[sflag:s22] =	ssyncadd.s32 s5;
	_ =	sdelay $0x1  }
0xa7: {  	s23 =	simm.s32 $0x1B8B  }
0xa8: {  	_ =	swait.ge [sflag:s23], $0x1  }
0xa9: {  	[sflag:s23] =	ssyncset.done $0x0  }
0xaa: {  	s25 =	simm.s32 $0x1B8E;
	s24 =	sld [smem:$0x3FFE];
	[sflag:s23] =	ssyncadd.s32 $0xFFFFFFFF  }
0xab: {  	s26 =	simm.s32 $execute0_lowered;
	[smem:$0x3FD2] =	sst s25  }
0xac: {  	s6 =	sshll.u32 s26, $0x1;
	_ =	strace $0x80000049;
	[dreg:$0x1] =	wrdreg $0xFFFFFFFF  }
0xad: {  	s28 =	simm.s32 $_size_execute0_lowered;
	s4 =	sadd.s32 s4, s6;
	[dreg:$0x0] =	wrdreg $0x0  }
0xae: {  	s6 =	sshll.u32 s28, $0x1;
	[dreg:$0x2] =	wrdreg s4  }
0xaf: {  	[dreg:$0x3] =	wrdreg s6  }
0xb0: {  	[dreg:$0x4] =	wrdreg $0xC0  }
0xb1: {  	_ =	task [dreg:s8], $0x5FFFF  }
0xb2: {  	[dreg:$0x1] =	wrdreg $0xFFFFFFFF  }
0xb3: {  	[dreg:$0x0] =	wrdreg $0x60  }
0xb4: {  	[dreg:$0x2] =	wrdreg s24  }
0xb5: {  	[dreg:$0x3] =	wrdreg s16  }
0xb6: {  	[dreg:$0x4] =	wrdreg s17  }
0xb7: {  	[dreg:$0x5] =	wrdreg $0xA9000  }
0xb8: {  	[dreg:$0x6] =	wrdreg $0x9  }
0xb9: {  	_ =	task.clear_ibuf [dreg:s8], $0x7FFFF;
	_ =	strace $0x90000049  }
0xba: {  	s29 =	simm.s32 $0x9;
	_ =	strace $0x8000004B  }
0xbb: {  	_ =	swait.ge [sflag:s29], $0x1  }
0xbc: {  	[sflag:s29] =	ssyncadd.s32 $0xFFFFFFFF  }
0xbd: {  	_ =	strace $0x9000004B  }
0xbe: {  	_ =	sfence  }
0xbf: {  	s30 =	sld [smem:$0x0];
	_ =	sdelay $0x2  }
0xc0: {  	s31 =	sshll.u32 s1, $0xD;
	s1 =	sshrl.u32 s1, $0x2  }
0xc1: {  	s3 =	sand.u32 $0x4000, s31;
	s1 =	sadd.s32 s1, s30  }
0xc2: {  	s0 =	sor.u32 s3, s0;
	s1 =	sshll.u32 s1, $0x11  }
0xc3: {  	s0 =	sor.u32 s1, s0  }
0xc4: {  	s0 =	sadd.s32 $0x8F2B, s0  }
0xc5: {  	[sflag:s0] =	ssyncadd.remote.s32 $0x1  }
0xc6: {  	_ =	sfence.sel $0xFFFF  }
0xc7: {  	[dreg:$0x0] =	wrdreg $0xFFFFFFFF;
	(pc) =	sbr.abs _section_cstart, $3  }
0xc8: {  	[dreg:$0x1] =	wrdreg $0xFFFFFFFF  }
0xc9: {  	_ =	task.clear_ibuf [dreg:s8], $0x2FFFF;
	_ =	strace $0x9FFFFFFF  }
0xca: {  	(tm) =	ssettm $0x7FFFFFFF  }
0xcb: {  	_ =	shalt  }
tec
execute0_lowered:
.L_overlay_start_1:
0x0: {  	(tag) =	ssettag $0x1  }
0x1: {  	s5 =	rddreg [dreg:$0x0]  }
0x2: {  	s14 =	rddreg [dreg:$0x1]  }
0x3: {  	s1 =	rddreg [dreg:$0x2]  }
0x4: {  	s2 =	rddreg [dreg:$0x3]  }
0x5: {  	s0 =	rddreg [dreg:$0x4];
	s4 =	simm.s32 $0x0;
	s6 =	srdreg.scid  }
0x6: {  	s3 =	stileid.u32;
	[smem:$0x7FF] =	sst s4;
	s15 =	sand.u32 $0x1, s6  }
0x7: {  	s16 =	sshll.u32 s3, $0x5;
	s19 =	sadd.s32 $0x5A600, s5;
	s9 =	smul.u32 $0x4E000, s3  }
0x8: {  	s11 =	smul.u32 $0x13800, s3;
	s6 =	sadd.s32 $0x138000, s2;
	p0 =	sne.s32 s3, $0xF  }
0x9: {  	_ =	strace $0x8000004A;
	s17 =	smul.u32 $0x138800, s15;
	s18 =	sadd.s32 s16, s5  }
0xa: {  	s29 =	ssub.s32 $0x2, s15;
	s5 =	sshll.u32 s3, $0x1;
	s15 =	sshll.u32 s15, $0x4  }
0xb: {  	s16 =	sadd.s32 s16, s14;
	s30 =	sshrl.u32 s29, $0x1;
	s9 =	sshrl.u32 s9, $0x2  }
0xc: {  	s12 =	sadd.s32 $0x6800, s11;
	s20 =	sadd.s32 $0xD000, s11;
	s18 =	sadd.s32 s15, s18  }
0xd: {  	s15 =	sadd.s32 s15, s16;
	s7 =	sshrl.u32 s17, $0x3;
	s8 =	ssub.s32 s29, s30  }
0xe: {  	s9 =	sadd.s32 s9, s2;
	s10 =	sadd.s32 s12, s2;
	s13 =	sadd.s32 s17, s11  }
0xf: {  	s21 =	sadd.s32 s17, s12;
	s11 =	sadd.s32 s20, s2;
	s17 =	sadd.s32 s17, s20  }
0x10: {  	s16 =	sadd.s32 $0x2600, s18;
	s18 =	simm.s32 $0x2;
	s7 =	sadd.s32 s19, s7  }
0x11: {  	s8 =	smax.u32 s8, $0x1;
	s13 =	sshrl.u32 s13, $0x3;
	s31 =	sshrl.u32 s21, $0x3  }
0x12: {  	s17 =	sshrl.u32 s17, $0x3;
	s7 =	sadd.s32 $0x27000, s7;
	s12 =	sadd.s32 s19, s13  }
0x13: {  	v0 =	vimm.f32 $0.0e+00;
	s13 =	sadd.s32 s19, s31;
	s14 =	sadd.s32 s19, s17;
	s17 =	simm.s32 $0x4100  }
.LBB2_1:
0x14: {  	s19 =	simm.s32 $0x0;
	s20 =	simm.s32 $0x200  }
.LBB2_2:
0x15: {  	p1 =	sne.s32 s20, $0x19E00;
	[tilespmem:s19+$0x4170] =	vst v0  }
0x16: {  	[tilespmem:s19+$0x4100] =	vst v0  }
0x17: {  	[tilespmem:s19+$0x4110] =	vst v0  }
.Ltmp0:
0x18: {  	[tilespmem:s19+$0x4120] =	vst v0;
	(pc) =	sbr.rel @p1 .LBB2_2-.Ltmp0, $4  }
0x19: {  	[tilespmem:s19+$0x4130] =	vst v0  }
0x1a: {  	[tilespmem:s19+$0x4140] =	vst v0  }
0x1b: {  	[tilespmem:s19+$0x4150] =	vst v0  }
0x1c: {  	[tilespmem:s19+$0x4160] =	vst v0;
	s19 =	sshra.s32 s20, $0x2;
	s20 =	sadd.s32 $0x200, s20  }
0x1d: {  	[tilespmem:s19+$0x4170] =	vst v0  }
0x1e: {  	[tilespmem:s19+$0x4100] =	vst v0  }
0x1f: {  	[tilespmem:s19+$0x4110] =	vst v0  }
0x20: {  	[tilespmem:s19+$0x4120] =	vst v0  }
0x21: {  	[tilespmem:s19+$0x4130] =	vst v0  }
0x22: {  	[tilespmem:s19+$0x4140] =	vst v0  }
0x23: {  	[tilespmem:s19+$0x4150] =	vst v0  }
0x24: {  	[tilespmem:s19+$0x4160] =	vst v0  }
0x25: {  	[spmem:s9] =	stream.linear.scatter [tilespmem:s17], [sflag:$0x2], $0x6800, $0x38;
	[tilespmem:$0x1E180] =	vst v63  }
0x26: {  	_ =	swait.ge [sflag:s18], $0x6800  }
0x27: {  	[sflag:s18] =	ssyncset.done $0x0  }
0x28: {  	[sflag:s18] =	ssyncadd.s32 $0xFFFF9800  }
0x29: {  	[spmem:s10] =	stream.linear.scatter [tilespmem:s17], [sflag:$0x2], $0x6800, $0x38;
	[tilespmem:$0x1E180] =	vst v63  }
0x2a: {  	_ =	swait.ge [sflag:s18], $0x6800  }
0x2b: {  	[sflag:s18] =	ssyncset.done $0x0  }
0x2c: {  	[sflag:s18] =	ssyncadd.s32 $0xFFFF9800  }
0x2d: {  	[spmem:s11] =	stream.linear.scatter [tilespmem:s17], [sflag:$0x2], $0x6800, $0x38;
	[tilespmem:$0x1E180] =	vst v63  }
0x2e: {  	_ =	swait.ge [sflag:s18], $0x6800  }
0x2f: {  	[sflag:s18] =	ssyncset.done $0x0  }
0x30: {  	s19 =	simm.s32 @!p0 $0x4100;
	[sflag:s18] =	ssyncadd.s32 $0xFFFF9800  }
0x31: {  	[spmem:s6] =	stream.linear.scatter @!p0 [tilespmem:s19], [sflag:$0x2], $0x800, $0x38;
	[tilespmem:$0x1E180] =	vst v63  }
0x32: {  	s19 =	simm.s32 @!p0 $0x2  }
0x33: {  	_ =	swait.ge @!p0 [sflag:s19], $0x800  }
0x34: {  	p1 =	sgt.u32 s5, $0x9C3;
	[sflag:s19] =	ssyncset.done @!p0 $0x0  }
0x35: {  	s20 =	simm.s32 @!p1 $0x0;
	[sflag:s19] =	ssyncadd.s32 @!p0 $0xFFFFF800  }
0x36: {  	s21 =	simm.s32 @!p1 $0x3;
	s19 =	sadd.s32 @!p1 $0x0, s16;
	[bflag:$0x0] =	sbarrier.arrive $0xFFFF  }
0x37: {  	[tilespmem:s20], [sflag:$0x3] =	stream.linear.gather @!p1 [hbm4b:s19+s20], $0x80, $0x38;
	[tilespmem:$0x1E180] =	vst v63  }
0x38: {  	_ =	swait.ge @!p1 [sflag:s21], $0x80;
	p1 =	por p1, p1  }
0x39: {  	[sflag:s21] =	ssyncset.done @!p1 $0x0  }
0x3a: {  	s19 =	sadd.s32 @!p1 $0x0, s15;
	s22 =	simm.s32 @!p1 $0x80;
	[sflag:s21] =	ssyncadd.s32 @!p1 $0xFFFFFF80  }
0x3b: {  	[tilespmem:s22], [sflag:$0x3] =	stream.linear.gather @!p1 [hbm4b:s19+s20], $0x80, $0x38;
	[tilespmem:$0x1E180] =	vst v63  }
0x3c: {  	_ =	swait.ge @!p1 [sflag:s21], $0x80  }
0x3d: {  	[sflag:s21] =	ssyncset.done @!p1 $0x0  }
0x3e: {  	s19 =	simm.s32 @!p1 $0x100;
	[sflag:s21] =	ssyncadd.s32 @!p1 $0xFFFFFF80;
	s21 =	simm.s32 @!p1 $0x1  }
0x3f: {  	[tilespmem:s19], [sflag:$0x1] =	stream.indirect.gather @!p1 [hbm4b:s1+s22], $0x80, s20, s22, $0xb8;
	[tilespmem:$0x1E180] =	vst v63  }
0x40: {  	_ =	swait.ge @!p1 [sflag:s21], $0x4000  }
0x41: {  	[sflag:s21] =	ssyncset.done @!p1 $0x0  }
0x42: {  	s20 =	sadd.s32 $0x20, s5;
	[sflag:s21] =	ssyncadd.s32 @!p1 $0xFFFFC000  }
0x43: {  	[spmem:s2] =	stream.indirect.scatter.add.f32 @!p1 [tilespmem:s19], [sflag:$0x2], $0x80, s22, s22, $0xb8;
	[tilespmem:$0x1E180] =	vst v63  }
0x44: {  	p3 =	sgt.u32 s20, $0x9C3;
	s22 =	simm.s32 @!p1 $0x2  }
0x45: {  	s21 =	simm.s32 $0x400;
	s19 =	simm.s32 $0x200;
	_ =	swait.ge @!p1 [sflag:s22], $0x4000  }
.LBB2_4:
0x46: {  	s23 =	sadd.s32 @!p3 s19, s16  }
0x47: {  	s24 =	simm.s32 @!p3 $0x0;
	[sflag:s22] =	ssyncset.done @!p1 $0x0;
	s25 =	smov.u32 s21  }
0x48: {  	s21 =	sadd.s32 $0x200, s21;
	s26 =	simm.s32 @!p3 $0x3;
	[sflag:s22] =	ssyncadd.s32 @!p1 $0xFFFFC000  }
0x49: {  	[tilespmem:s24], [sflag:$0x3] =	stream.linear.gather @!p3 [hbm4b:s23+s24], $0x80, $0x38;
	[tilespmem:$0x1E180] =	vst v63  }
0x4a: {  	p2 =	sne.s32 s21, $0x9E00;
	p1 =	por p3, p3;
	_ =	swait.ge @!p3 [sflag:s26], $0x80  }
0x4b: {  	[sflag:s26] =	ssyncset.done @!p1 $0x0  }
0x4c: {  	s19 =	sadd.s32 @!p1 s19, s15;
	s23 =	simm.s32 @!p1 $0x80;
	[sflag:s26] =	ssyncadd.s32 @!p1 $0xFFFFFF80  }
0x4d: {  	[tilespmem:s23], [sflag:$0x3] =	stream.linear.gather @!p1 [hbm4b:s19+s24], $0x80, $0x38;
	[tilespmem:$0x1E180] =	vst v63  }
0x4e: {  	s19 =	smov.u32 s25;
	_ =	swait.ge @!p1 [sflag:s26], $0x80  }
0x4f: {  	[sflag:s26] =	ssyncset.done @!p1 $0x0  }
0x50: {  	s22 =	simm.s32 @!p1 $0x1;
	s25 =	simm.s32 @!p1 $0x100;
	[sflag:s26] =	ssyncadd.s32 @!p1 $0xFFFFFF80  }
0x51: {  	[tilespmem:s25], [sflag:$0x1] =	stream.indirect.gather @!p1 [hbm4b:s1+s23], $0x80, s24, s23, $0xb8;
	[tilespmem:$0x1E180] =	vst v63  }
.Ltmp1:
0x52: {  	_ =	swait.ge @!p1 [sflag:s22], $0x4000;
	(pc) =	sbr.rel @p2 .LBB2_4-.Ltmp1, $4  }
0x53: {  	[sflag:s22] =	ssyncset.done @!p1 $0x0  }
0x54: {  	s20 =	sadd.s32 $0x20, s20;
	[sflag:s22] =	ssyncadd.s32 @!p1 $0xFFFFC000;
	s22 =	simm.s32 @!p1 $0x2  }
0x55: {  	[spmem:s2] =	stream.indirect.scatter.add.f32 @!p1 [tilespmem:s25], [sflag:$0x2], $0x80, s23, s23, $0xb8;
	[tilespmem:$0x1E180] =	vst v63  }
0x56: {  	p3 =	sgt.u32 s20, $0x9C3;
	_ =	swait.ge @!p1 [sflag:s22], $0x4000  }
0x57: {  	s20 =	sadd.s32 @!p3 s19, s16;
	[sflag:s22] =	ssyncset.done @!p1 $0x0  }
0x58: {  	s21 =	simm.s32 @!p3 $0x0;
	s23 =	simm.s32 @!p3 $0x3;
	[sflag:s22] =	ssyncadd.s32 @!p1 $0xFFFFC000  }
0x59: {  	[tilespmem:s21], [sflag:$0x3] =	stream.linear.gather @!p3 [hbm4b:s20+s21], $0x80, $0x38;
	[tilespmem:$0x1E180] =	vst v63  }
0x5a: {  	p1 =	por p3, p3;
	_ =	swait.ge @!p3 [sflag:s23], $0x80  }
0x5b: {  	[sflag:s23] =	ssyncset.done @!p1 $0x0  }
0x5c: {  	s19 =	sadd.s32 @!p1 s19, s15;
	s20 =	simm.s32 @!p1 $0x80;
	[sflag:s23] =	ssyncadd.s32 @!p1 $0xFFFFFF80  }
0x5d: {  	[tilespmem:s20], [sflag:$0x3] =	stream.linear.gather @!p1 [hbm4b:s19+s21], $0x80, $0x38;
	[tilespmem:$0x1E180] =	vst v63  }
0x5e: {  	_ =	swait.ge @!p1 [sflag:s23], $0x80  }
0x5f: {  	[sflag:s23] =	ssyncset.done @!p1 $0x0  }
0x60: {  	s22 =	simm.s32 @!p1 $0x1;
	s19 =	simm.s32 @!p1 $0x100;
	[sflag:s23] =	ssyncadd.s32 @!p1 $0xFFFFFF80  }
0x61: {  	[tilespmem:s19], [sflag:$0x1] =	stream.indirect.gather @!p1 [hbm4b:s1+s20], $0x80, s21, s20, $0xb8;
	[tilespmem:$0x1E180] =	vst v63  }
0x62: {  	_ =	swait.ge @!p1 [sflag:s22], $0x4000  }
0x63: {  	[sflag:s22] =	ssyncset.done @!p1 $0x0  }
0x64: {  	s21 =	simm.s32 @!p1 $0x2;
	[sflag:s22] =	ssyncadd.s32 @!p1 $0xFFFFC000  }
0x65: {  	[spmem:s2] =	stream.indirect.scatter.add.f32 @!p1 [tilespmem:s19], [sflag:$0x2], $0x80, s20, s20, $0xb8;
	[tilespmem:$0x1E180] =	vst v63  }
0x66: {  	_ =	swait.ge @!p1 [sflag:s21], $0x4000  }
0x67: {  	[sflag:s21] =	ssyncset.done @!p1 $0x0  }
0x68: {  	s28 =	sshll.u32 s3, $0x6;
	[sflag:s21] =	ssyncadd.s32 @!p1 $0xFFFFC000  }
0x69: {  	s29 =	sshrl.u32 s9, $0x3;
	s19 =	sor.u32 $0x1C02, s28;
	[bflag:$0x0] =	sbarrier.arrive $0xFFFF  }
0x6a: {  	[hbm:s12], [sflag:s19] =	dma.local [spmem:s29], $0xD00  }
0x6b: {  	_ =	swait.ge [sflag:s18], $0xD00  }
0x6c: {  	[sflag:s18] =	ssyncset.done $0x0  }
0x6d: {  	s30 =	sshrl.u32 s10, $0x3;
	[sflag:s18] =	ssyncadd.s32 $0xFFFFF300  }
0x6e: {  	[hbm:s13], [sflag:s19] =	dma.local [spmem:s30], $0xD00  }
0x6f: {  	_ =	swait.ge [sflag:s18], $0xD00  }
0x70: {  	[sflag:s18] =	ssyncset.done $0x0  }
0x71: {  	s31 =	sshrl.u32 s11, $0x3;
	[sflag:s18] =	ssyncadd.s32 $0xFFFFF300  }
0x72: {  	[hbm:s14], [sflag:s19] =	dma.local [spmem:s31], $0xD00  }
0x73: {  	_ =	swait.ge [sflag:s18], $0xD00  }
0x74: {  	s4 =	sadd.s32 $0x1, s4;
	s20 =	simm.s32 @!p0 $0x1FC2;
	[sflag:s18] =	ssyncset.done $0x0  }
0x75: {  	p1 =	sne.s32 s4, s8;
	s19 =	sshrl.u32 @!p0 s6, $0x3;
	[sflag:s18] =	ssyncadd.s32 $0xFFFFF300  }
0x76: {  	[hbm:s7], [sflag:s20] =	dma.local @!p0 [spmem:s19], $0x100  }
.Ltmp2:
0x77: {  	_ = 	snop;
	(pc) =	sbr.rel @p1 .LBB2_1-.Ltmp2, $4  }
0x78: {  	s19 =	simm.s32 @!p0 $0x2  }
0x79: {  	_ =	swait.ge @!p0 [sflag:s19], $0x100  }
0x7a: {  	[sflag:s19] =	ssyncset.done @!p0 $0x0  }
0x7b: {  	[sflag:s19] =	ssyncadd.s32 @!p0 $0xFFFFFF00  }
0x7c: {  	_ =	sfence.sel $0x180000  }
0x7d: {  	[bflag:$0x0] =	sbarrier.arrive $0xFFFF  }
0x7e: {  	p0 =	sne.s32 s3, $0x0;
	_ =	strace $0x9000004A  }
0x7f: {  	s0 =	sadd.s32 @!p0 $0x100000, s0;
	[bflag:$0x2] =	sbarrier.arrive $0xFFFF  }
0x80: {  	[sflag:s0] =	ssyncadd.tile.s32 @!p0 $0x1;
	_ =	shalt  }
.Lfunc_end2:
_tile_overlayer_lowered:
.L_overlay_start_2:
0x81: {  	(tag) =	ssettag $0x2  }
0x82: {  	s0 =	rddreg [dreg:$0x0];
	s2 =	stileid.u32  }
0x83: {  	s1 =	rddreg [dreg:$0x1];
	p0 =	sne.s32 s2, $0x0  }
0x84: {  	s3 =	rddreg [dreg:$0x2];
	[bflag:$0x3] =	sbarrier.arrive $0xFFFF;
	s2 =	simm.s32 @!p0 $0x1C02  }
0x85: {  	[timem:s3], [sflag:s2] =	dma.local @!p0 [hbm:s0], s1  }
0x86: {  	s0 =	simm.s32 @!p0 $0x2  }
0x87: {  	_ =	swait.ge @!p0 [sflag:s0], s1  }
0x88: {  	s1 =	ssub.s32 @!p0 $0x0, s1;
	[sflag:s0] =	ssyncset.done @!p0 $0x0  }
0x89: {  	[sflag:s0] =	ssyncadd.s32 @!p0 s1  }
0x8a: {  	[bflag:$0x3] =	sbarrier.arrive $0xFFFF  }
0x8b: {  	_ =	shalt  }

// kernel: kernel.14.cloned.1.call-start
scs
__scs_entry_jumppad:
0x0: {  	(pc) =	sbr.rel $0x88, $3  }
0x1: {  	(tag) =	ssettag $0x0;
	lr =	simm.s32 $0x1  }
0x2: {  	[smem:$0x3F97] =	sst lr;
	_ =	strace $0xD0000000  }
0x3: {  	_ = 	snop  }
0x4: {  	_ = 	snop  }
0x5: {  	_ = 	snop  }
0x6: {  	_ = 	snop  }
0x7: {  	_ = 	snop  }
__scs_overlays_trampoline_lowered:
0x8: {  	[smem:$0x3FA6] =	sst s0  }
0x9: {  	[smem:$0x3FA7] =	sst s1  }
0xa: {  	[smem:$0x3FA8] =	sst s2  }
0xb: {  	[smem:$0x3FA9] =	sst s3  }
0xc: {  	[smem:$0x3FAA] =	sst s4  }
0xd: {  	[smem:$0x3FAB] =	sst s5  }
0xe: {  	[smem:$0x3FAC] =	sst s6  }
0xf: {  	[smem:$0x3FAD] =	sst s7  }
0x10: {  	[smem:$0x3FAE] =	sst s8  }
0x11: {  	[smem:$0x3FAF] =	sst s9;
	s0 =	simm.s32 @!p0 $0x0  }
0x12: {  	s1 =	sld [smem:$0x3F95];
	s0 =	simm.s32 @p0 $0x1  }
0x13: {  	[smem:$0x3FB0] =	sst s0;
	s0 =	simm.s32 @!p1 $0x0  }
0x14: {  	s2 =	sld [smem:$0x3F94];
	s0 =	simm.s32 @p1 $0x1  }
0x15: {  	[smem:$0x3FB1] =	sst s0;
	s0 =	simm.s32 @!p2 $0x0  }
0x16: {  	s3 =	sld [smem:$0x3FDB];
	s0 =	simm.s32 @p2 $0x1  }
0x17: {  	s4 =	simm.s32 $0x1BF5;
	[smem:$0x3FB3] =	sst s0  }
0x18: {  	s0 =	sld [smem:$0x3F96];
	_ =	swait.ge [sflag:s4], $0x0  }
0x19: {  	s7 =	sld [smem:$0x3F97]  }
0x1a: {  	s8 =	sadd.s32 $0xFFFFE003, lr  }
0x1b: {  	s9 =	sadd.s32 $0xFFFFFEF7, lr;
	s5 =	simm.s32 $0xFFFFFFFF;
	p2 =	slt.u32 s8, $0xFFFFF086  }
0x1c: {  	p1 =	slt.u32 s9, $0xF7A;
	s5 =	simm.s32 @!p2 $0x0  }
0x1d: {  	s5 =	simm.s32 @p1 $0x1;
	p0 =	seq.s32 s7, s2  }
0x1e: {  	s7 =	smul.u32 @!p0 $0xF7A, s2;
	p2 =	seq.s32 @!p0 s5, $0x0  }
0x1f: {  	s9 =	smul.u32 $0xF7A, s1;
	s8 =	simm.s32 @!p0 $0x1BF5;
	p2 =	por !p2, p0  }
0x20: {  	[sflag:s8] =	ssyncset.s32 @!p0 $0xFFFFF086;
	s6 =	sadd.s32 @!p0 s3, s7;
	s7 =	simm.s32 @!p0 $0x108  }
0x21: {  	s3 =	sadd.s32 s3, s9;
	s6 =	sadd.s32 @!p0 $0x88, s6;
	s7 =	simm.s32 @p2 $0x1082  }
0x22: {  	[simem:s7], [sflag:s8] =	dma.local @!p0 [hbm:s6], $0xF7A  }
0x23: {  	s9 =	sor.u32 $0xD0000000, s2;
	s6 =	simm.s32 $0x108;
	_ =	swait.ge @!p0 [sflag:s8], $0x0  }
0x24: {  	s3 =	sadd.s32 $0x88, s3;
	s6 =	simm.s32 @!p1 $0x1082;
	[sflag:s4] =	ssyncset.s32 $0xFFFFF086  }
0x25: {  	[simem:s6], [sflag:s4] =	dma.local [hbm:s3], $0xF7A  }
0x26: {  	[smem:$0x3F97] =	sst s1;
	(tag) =	ssettag s2;
	_ =	strace s9  }
0x27: {  	s1 =	sld [smem:$0x3FA7]  }
0x28: {  	s2 =	sld [smem:$0x3FA8]  }
0x29: {  	s4 =	sld [smem:$0x3FAA]  }
0x2a: {  	p0 =	seq.s32 s5, $0x0;
	s5 =	sld [smem:$0x3FAB]  }
0x2b: {  	s6 =	sld [smem:$0x3FAC]  }
0x2c: {  	s7 =	sld [smem:$0x3FAD]  }
0x2d: {  	s3 =	simm.s32 $0x108;
	s8 =	sld [smem:$0x3FAE]  }
0x2e: {  	s3 =	simm.s32 @!p0 $0x1082;
	s9 =	sld [smem:$0x3FAF]  }
0x2f: {  	lr =	sadd.s32 s0, s3;
	s0 =	sld [smem:$0x3FA6]  }
0x30: {  	s3 =	sld [smem:$0x3FA9]  }
0x31: {  	[smem:$0x3FB2] =	sst s10  }
0x32: {  	s10 =	sld [smem:$0x3FB0];
	_ =	sdelay $0x3  }
0x33: {  	p0 =	seq.s32 s10, $0x1;
	s10 =	sld [smem:$0x3FB2];
	_ =	sdelay $0x3  }
0x34: {  	[smem:$0x3FB2] =	sst s10  }
0x35: {  	s10 =	sld [smem:$0x3FB1];
	_ =	sdelay $0x3  }
0x36: {  	p1 =	seq.s32 s10, $0x1;
	s10 =	sld [smem:$0x3FB2];
	_ =	sdelay $0x3  }
0x37: {  	[smem:$0x3FB2] =	sst s10  }
0x38: {  	s10 =	sld [smem:$0x3FB3]  }
0x39: {  	_ = 	snop;
	(pc) =	sbr.ind lr, $3  }
0x3a: {  	_ = 	snop  }
0x3b: {  	_ = 	snop  }
0x3c: {  	p2 =	seq.s32 s10, $0x1;
	s10 =	sld [smem:$0x3FB2]  }
0x3d: {  	_ =	shalt  }
0x3e: {  	_ =	shalt  }
0x3f: {  	_ =	shalt  }
0x40: {  	_ =	shalt  }
0x41: {  	_ =	shalt  }
0x42: {  	_ =	shalt  }
0x43: {  	_ =	shalt  }
0x44: {  	_ =	shalt  }
0x45: {  	_ =	shalt  }
0x46: {  	_ =	shalt  }
0x47: {  	_ =	shalt  }
0x48: {  	_ =	shalt  }
0x49: {  	_ =	shalt  }
0x4a: {  	_ =	shalt  }
0x4b: {  	_ =	shalt  }
0x4c: {  	_ =	shalt  }
0x4d: {  	_ =	shalt  }
0x4e: {  	_ =	shalt  }
0x4f: {  	_ =	shalt  }
0x50: {  	_ =	shalt  }
0x51: {  	_ =	shalt  }
0x52: {  	_ =	shalt  }
0x53: {  	_ =	shalt  }
0x54: {  	_ =	shalt  }
0x55: {  	_ =	shalt  }
0x56: {  	_ =	shalt  }
0x57: {  	_ =	shalt  }
0x58: {  	_ =	shalt  }
0x59: {  	_ =	shalt  }
0x5a: {  	_ =	shalt  }
0x5b: {  	_ =	shalt  }
0x5c: {  	_ =	shalt  }
0x5d: {  	_ =	shalt  }
0x5e: {  	_ =	shalt  }
0x5f: {  	_ =	shalt  }
0x60: {  	_ =	shalt  }
0x61: {  	_ =	shalt  }
0x62: {  	_ =	shalt  }
0x63: {  	_ =	shalt  }
0x64: {  	_ =	shalt  }
0x65: {  	_ =	shalt  }
0x66: {  	_ =	shalt  }
0x67: {  	_ =	shalt  }
0x68: {  	_ =	shalt  }
0x69: {  	_ =	shalt  }
0x6a: {  	_ =	shalt  }
0x6b: {  	_ =	shalt  }
0x6c: {  	_ =	shalt  }
0x6d: {  	_ =	shalt  }
0x6e: {  	_ =	shalt  }
0x6f: {  	_ =	shalt  }
0x70: {  	_ =	shalt  }
0x71: {  	_ =	shalt  }
0x72: {  	_ =	shalt  }
0x73: {  	_ =	shalt  }
0x74: {  	_ =	shalt  }
0x75: {  	_ =	shalt  }
0x76: {  	_ =	shalt  }
0x77: {  	_ =	shalt  }
0x78: {  	_ =	shalt  }
0x79: {  	_ =	shalt  }
0x7a: {  	_ =	shalt  }
0x7b: {  	_ =	shalt  }
0x7c: {  	_ =	shalt  }
0x7d: {  	_ =	shalt  }
0x7e: {  	_ =	shalt  }
0x7f: {  	_ =	shalt  }
0x80: {  	_ =	shalt  }
0x81: {  	_ =	shalt  }
0x82: {  	_ =	shalt  }
0x83: {  	_ =	shalt  }
0x84: {  	_ =	shalt  }
0x85: {  	_ =	shalt  }
0x86: {  	_ =	shalt  }
0x87: {  	_ =	shalt  }
.Lfunc_end0:
.L_simem_size_0:
called_computation.2_lowered:
.L_overlay_start_0:
0x88: {  	s2 =	sld [smem:$0x3FD9]  }
0x89: {  	s3 =	sld [smem:$0x3FFE];
	_ =	sdelay $0x1  }
0x8a: {  	s1 =	srdreg.scid  }
0x8b: {  	s0 =	sand.u32 $0x1, s1  }
0x8c: {  	s14 =	sshll.u32 s0, $0xA;
	s2 =	sadd.s32 s3, s2  }
0x8d: {  	s2 =	sadd.s32 s2, s14  }
0x8e: {  	[smem:$0x3FBE] =	sst s2  }
0x8f: {  	_ = 	snop  }
0x90: {  	s2 =	sld [smem:$0x3FD0];
	_ =	sdelay $0x2  }
0x91: {  	s15 =	simm.s32 $0xA;
	s4 =	simm.s32 $0x10  }
0x92: {  	[smem:s4], [sflag:s15] =	dma.local [hbm:s2], $0x1  }
0x93: {  	_ =	swait.eq [sflag:s15], $0x1  }
0x94: {  	[sflag:s15] =	ssyncset.done $0x0  }
0x95: {  	s16 =	sld [smem:$0x10];
	[sflag:s15] =	ssyncadd.s32 $0xFFFFFFFF  }
0x96: {  	s17 =	sld [smem:$0x11];
	(tm) =	ssettm $0x1  }
0x97: {  	s18 =	sld [smem:$0x3FFB];
	_ =	sdelay $0x3  }
0x98: {  	_ =	strace s18  }
0x99: {  	s4 =	sld [smem:$0x3FFC];
	_ =	sdelay $0x3  }
0x9a: {  	_ =	strace s4  }
0x9b: {  	s4 =	sld [smem:$0x3FFD];
	_ =	sdelay $0x3  }
0x9c: {  	_ =	strace s4  }
0x9d: {  	_ =	strace $0x8FFFFFFF  }
0x9e: {  	s19 =	sld [smem:$0x3FDB];
	_ =	sdelay $0x1  }
0x9f: {  	s5 =	simm.s32 $_scs_section_size  }
0xa0: {  	s6 =	simm.s32 $_size__tile_overlayer_lowered;
	s7 =	simm.s32 $_tile_overlayer_lowered  }
0xa1: {  	s22 =	simm.s32 $0x1BFF;
	s21 =	sshll.u32 s7, $0x1;
	s4 =	sadd.s32 s5, s19  }
0xa2: {  	s8 =	simm.s32 $0x0;
	s20 =	sshll.u32 s6, $0x1;
	s6 =	sadd.s32 s21, s4  }
0xa3: {  	[timem:s8], [sflag:s22] =	dma.local [hbm:s6], s20  }
0xa4: {  	_ =	swait.ge [sflag:s22], s20  }
0xa5: {  	s5 =	ssub.s32 $0x0, s20;
	[sflag:s22] =	ssyncset.done $0x0  }
0xa6: {  	[sflag:s22] =	ssyncadd.s32 s5;
	_ =	sdelay $0x1  }
0xa7: {  	s23 =	simm.s32 $0x1B8B  }
0xa8: {  	_ =	swait.ge [sflag:s23], $0x1  }
0xa9: {  	[sflag:s23] =	ssyncset.done $0x0  }
0xaa: {  	s25 =	simm.s32 $0x1B8E;
	s24 =	sld [smem:$0x3FFE];
	[sflag:s23] =	ssyncadd.s32 $0xFFFFFFFF  }
0xab: {  	s26 =	simm.s32 $execute0_lowered;
	[smem:$0x3FD2] =	sst s25  }
0xac: {  	s6 =	sshll.u32 s26, $0x1;
	_ =	strace $0x8000004C;
	[dreg:$0x1] =	wrdreg $0xFFFFFFFF  }
0xad: {  	s28 =	simm.s32 $_size_execute0_lowered;
	s4 =	sadd.s32 s4, s6;
	[dreg:$0x0] =	wrdreg $0x0  }
0xae: {  	s6 =	sshll.u32 s28, $0x1;
	[dreg:$0x2] =	wrdreg s4  }
0xaf: {  	[dreg:$0x3] =	wrdreg s6  }
0xb0: {  	[dreg:$0x4] =	wrdreg $0xC0  }
0xb1: {  	_ =	task [dreg:s8], $0x5FFFF  }
0xb2: {  	[dreg:$0x1] =	wrdreg $0xFFFFFFFF  }
0xb3: {  	[dreg:$0x0] =	wrdreg $0x60  }
0xb4: {  	[dreg:$0x2] =	wrdreg s24  }
0xb5: {  	[dreg:$0x3] =	wrdreg s16  }
0xb6: {  	[dreg:$0x4] =	wrdreg s17  }
0xb7: {  	[dreg:$0x5] =	wrdreg $0xA9000  }
0xb8: {  	[dreg:$0x6] =	wrdreg $0x9  }
0xb9: {  	_ =	task.clear_ibuf [dreg:s8], $0x7FFFF;
	_ =	strace $0x9000004C  }
0xba: {  	s29 =	simm.s32 $0x9;
	_ =	strace $0x8000004E  }
0xbb: {  	_ =	swait.ge [sflag:s29], $0x1  }
0xbc: {  	[sflag:s29] =	ssyncadd.s32 $0xFFFFFFFF  }
0xbd: {  	_ =	strace $0x9000004E  }
0xbe: {  	_ =	sfence  }
0xbf: {  	s30 =	sld [smem:$0x0];
	_ =	sdelay $0x2  }
0xc0: {  	s31 =	sshll.u32 s1, $0xD;
	s1 =	sshrl.u32 s1, $0x2  }
0xc1: {  	s3 =	sand.u32 $0x4000, s31;
	s1 =	sadd.s32 s1, s30  }
0xc2: {  	s0 =	sor.u32 s3, s0;
	s1 =	sshll.u32 s1, $0x11  }
0xc3: {  	s0 =	sor.u32 s1, s0  }
0xc4: {  	s0 =	sadd.s32 $0x8F2B, s0  }
0xc5: {  	[sflag:s0] =	ssyncadd.remote.s32 $0x1  }
0xc6: {  	_ =	sfence.sel $0xFFFF  }
0xc7: {  	[dreg:$0x0] =	wrdreg $0xFFFFFFFF;
	(pc) =	sbr.abs _section_cstart, $3  }
0xc8: {  	[dreg:$0x1] =	wrdreg $0xFFFFFFFF  }
0xc9: {  	_ =	task.clear_ibuf [dreg:s8], $0x2FFFF;
	_ =	strace $0x9FFFFFFF  }
0xca: {  	(tm) =	ssettm $0x7FFFFFFF  }
0xcb: {  	_ =	shalt  }
tec
execute0_lowered:
.L_overlay_start_1:
0x0: {  	(tag) =	ssettag $0x1  }
0x1: {  	s5 =	rddreg [dreg:$0x0]  }
0x2: {  	s14 =	rddreg [dreg:$0x1]  }
0x3: {  	s1 =	rddreg [dreg:$0x2]  }
0x4: {  	s2 =	rddreg [dreg:$0x3]  }
0x5: {  	s0 =	rddreg [dreg:$0x4];
	s4 =	simm.s32 $0x0;
	s6 =	srdreg.scid  }
0x6: {  	s3 =	stileid.u32;
	[smem:$0x7FF] =	sst s4;
	s15 =	sand.u32 $0x1, s6  }
0x7: {  	s16 =	sshll.u32 s3, $0x5;
	s19 =	sadd.s32 $0x5A600, s5;
	s9 =	smul.u32 $0x4E000, s3  }
0x8: {  	s11 =	smul.u32 $0x13800, s3;
	s6 =	sadd.s32 $0x138000, s2;
	p0 =	sne.s32 s3, $0xF  }
0x9: {  	_ =	strace $0x8000004D;
	s17 =	smul.u32 $0x138800, s15;
	s18 =	sadd.s32 s16, s5  }
0xa: {  	s29 =	ssub.s32 $0x2, s15;
	s5 =	sshll.u32 s3, $0x1;
	s15 =	sshll.u32 s15, $0x4  }
0xb: {  	s16 =	sadd.s32 s16, s14;
	s30 =	sshrl.u32 s29, $0x1;
	s9 =	sshrl.u32 s9, $0x2  }
0xc: {  	s12 =	sadd.s32 $0x6800, s11;
	s20 =	sadd.s32 $0xD000, s11;
	s18 =	sadd.s32 s15, s18  }
0xd: {  	s15 =	sadd.s32 s15, s16;
	s7 =	sshrl.u32 s17, $0x3;
	s8 =	ssub.s32 s29, s30  }
0xe: {  	s9 =	sadd.s32 s9, s2;
	s10 =	sadd.s32 s12, s2;
	s13 =	sadd.s32 s17, s11  }
0xf: {  	s21 =	sadd.s32 s17, s12;
	s11 =	sadd.s32 s20, s2;
	s17 =	sadd.s32 s17, s20  }
0x10: {  	s16 =	sadd.s32 $0x2600, s18;
	s18 =	simm.s32 $0x2;
	s7 =	sadd.s32 s19, s7  }
0x11: {  	s8 =	smax.u32 s8, $0x1;
	s13 =	sshrl.u32 s13, $0x3;
	s31 =	sshrl.u32 s21, $0x3  }
0x12: {  	s17 =	sshrl.u32 s17, $0x3;
	s7 =	sadd.s32 $0x27000, s7;
	s12 =	sadd.s32 s19, s13  }
0x13: {  	v0 =	vimm.f32 $0.0e+00;
	s13 =	sadd.s32 s19, s31;
	s14 =	sadd.s32 s19, s17;
	s17 =	simm.s32 $0x4100  }
.LBB2_1:
0x14: {  	s19 =	simm.s32 $0x0;
	s20 =	simm.s32 $0x200  }
.LBB2_2:
0x15: {  	p1 =	sne.s32 s20, $0x19E00;
	[tilespmem:s19+$0x4170] =	vst v0  }
0x16: {  	[tilespmem:s19+$0x4100] =	vst v0  }
0x17: {  	[tilespmem:s19+$0x4110] =	vst v0  }
.Ltmp0:
0x18: {  	[tilespmem:s19+$0x4120] =	vst v0;
	(pc) =	sbr.rel @p1 .LBB2_2-.Ltmp0, $4  }
0x19: {  	[tilespmem:s19+$0x4130] =	vst v0  }
0x1a: {  	[tilespmem:s19+$0x4140] =	vst v0  }
0x1b: {  	[tilespmem:s19+$0x4150] =	vst v0  }
0x1c: {  	[tilespmem:s19+$0x4160] =	vst v0;
	s19 =	sshra.s32 s20, $0x2;
	s20 =	sadd.s32 $0x200, s20  }
0x1d: {  	[tilespmem:s19+$0x4170] =	vst v0  }
0x1e: {  	[tilespmem:s19+$0x4100] =	vst v0  }
0x1f: {  	[tilespmem:s19+$0x4110] =	vst v0  }
0x20: {  	[tilespmem:s19+$0x4120] =	vst v0  }
0x21: {  	[tilespmem:s19+$0x4130] =	vst v0  }
0x22: {  	[tilespmem:s19+$0x4140] =	vst v0  }
0x23: {  	[tilespmem:s19+$0x4150] =	vst v0  }
0x24: {  	[tilespmem:s19+$0x4160] =	vst v0  }
0x25: {  	[spmem:s9] =	stream.linear.scatter [tilespmem:s17], [sflag:$0x2], $0x6800, $0x38;
	[tilespmem:$0x1E180] =	vst v63  }
0x26: {  	_ =	swait.ge [sflag:s18], $0x6800  }
0x27: {  	[sflag:s18] =	ssyncset.done $0x0  }
0x28: {  	[sflag:s18] =	ssyncadd.s32 $0xFFFF9800  }
0x29: {  	[spmem:s10] =	stream.linear.scatter [tilespmem:s17], [sflag:$0x2], $0x6800, $0x38;
	[tilespmem:$0x1E180] =	vst v63  }
0x2a: {  	_ =	swait.ge [sflag:s18], $0x6800  }
0x2b: {  	[sflag:s18] =	ssyncset.done $0x0  }
0x2c: {  	[sflag:s18] =	ssyncadd.s32 $0xFFFF9800  }
0x2d: {  	[spmem:s11] =	stream.linear.scatter [tilespmem:s17], [sflag:$0x2], $0x6800, $0x38;
	[tilespmem:$0x1E180] =	vst v63  }
0x2e: {  	_ =	swait.ge [sflag:s18], $0x6800  }
0x2f: {  	[sflag:s18] =	ssyncset.done $0x0  }
0x30: {  	s19 =	simm.s32 @!p0 $0x4100;
	[sflag:s18] =	ssyncadd.s32 $0xFFFF9800  }
0x31: {  	[spmem:s6] =	stream.linear.scatter @!p0 [tilespmem:s19], [sflag:$0x2], $0x800, $0x38;
	[tilespmem:$0x1E180] =	vst v63  }
0x32: {  	s19 =	simm.s32 @!p0 $0x2  }
0x33: {  	_ =	swait.ge @!p0 [sflag:s19], $0x800  }
0x34: {  	p1 =	sgt.u32 s5, $0x9C3;
	[sflag:s19] =	ssyncset.done @!p0 $0x0  }
0x35: {  	s20 =	simm.s32 @!p1 $0x0;
	[sflag:s19] =	ssyncadd.s32 @!p0 $0xFFFFF800  }
0x36: {  	s21 =	simm.s32 @!p1 $0x3;
	s19 =	sadd.s32 @!p1 $0x0, s16;
	[bflag:$0x0] =	sbarrier.arrive $0xFFFF  }
0x37: {  	[tilespmem:s20], [sflag:$0x3] =	stream.linear.gather @!p1 [hbm4b:s19+s20], $0x80, $0x38;
	[tilespmem:$0x1E180] =	vst v63  }
0x38: {  	_ =	swait.ge @!p1 [sflag:s21], $0x80;
	p1 =	por p1, p1  }
0x39: {  	[sflag:s21] =	ssyncset.done @!p1 $0x0  }
0x3a: {  	s19 =	sadd.s32 @!p1 $0x0, s15;
	s22 =	simm.s32 @!p1 $0x80;
	[sflag:s21] =	ssyncadd.s32 @!p1 $0xFFFFFF80  }
0x3b: {  	[tilespmem:s22], [sflag:$0x3] =	stream.linear.gather @!p1 [hbm4b:s19+s20], $0x80, $0x38;
	[tilespmem:$0x1E180] =	vst v63  }
0x3c: {  	_ =	swait.ge @!p1 [sflag:s21], $0x80  }
0x3d: {  	[sflag:s21] =	ssyncset.done @!p1 $0x0  }
0x3e: {  	s19 =	simm.s32 @!p1 $0x100;
	[sflag:s21] =	ssyncadd.s32 @!p1 $0xFFFFFF80;
	s21 =	simm.s32 @!p1 $0x1  }
0x3f: {  	[tilespmem:s19], [sflag:$0x1] =	stream.indirect.gather @!p1 [hbm4b:s1+s22], $0x80, s20, s22, $0xb8;
	[tilespmem:$0x1E180] =	vst v63  }
0x40: {  	_ =	swait.ge @!p1 [sflag:s21], $0x4000  }
0x41: {  	[sflag:s21] =	ssyncset.done @!p1 $0x0  }
0x42: {  	s20 =	sadd.s32 $0x20, s5;
	[sflag:s21] =	ssyncadd.s32 @!p1 $0xFFFFC000  }
0x43: {  	[spmem:s2] =	stream.indirect.scatter.add.f32 @!p1 [tilespmem:s19], [sflag:$0x2], $0x80, s22, s22, $0xb8;
	[tilespmem:$0x1E180] =	vst v63  }
0x44: {  	p3 =	sgt.u32 s20, $0x9C3;
	s22 =	simm.s32 @!p1 $0x2  }
0x45: {  	s21 =	simm.s32 $0x400;
	s19 =	simm.s32 $0x200;
	_ =	swait.ge @!p1 [sflag:s22], $0x4000  }
.LBB2_4:
0x46: {  	s23 =	sadd.s32 @!p3 s19, s16  }
0x47: {  	s24 =	simm.s32 @!p3 $0x0;
	[sflag:s22] =	ssyncset.done @!p1 $0x0;
	s25 =	smov.u32 s21  }
0x48: {  	s21 =	sadd.s32 $0x200, s21;
	s26 =	simm.s32 @!p3 $0x3;
	[sflag:s22] =	ssyncadd.s32 @!p1 $0xFFFFC000  }
0x49: {  	[tilespmem:s24], [sflag:$0x3] =	stream.linear.gather @!p3 [hbm4b:s23+s24], $0x80, $0x38;
	[tilespmem:$0x1E180] =	vst v63  }
0x4a: {  	p2 =	sne.s32 s21, $0x9E00;
	p1 =	por p3, p3;
	_ =	swait.ge @!p3 [sflag:s26], $0x80  }
0x4b: {  	[sflag:s26] =	ssyncset.done @!p1 $0x0  }
0x4c: {  	s19 =	sadd.s32 @!p1 s19, s15;
	s23 =	simm.s32 @!p1 $0x80;
	[sflag:s26] =	ssyncadd.s32 @!p1 $0xFFFFFF80  }
0x4d: {  	[tilespmem:s23], [sflag:$0x3] =	stream.linear.gather @!p1 [hbm4b:s19+s24], $0x80, $0x38;
	[tilespmem:$0x1E180] =	vst v63  }
0x4e: {  	s19 =	smov.u32 s25;
	_ =	swait.ge @!p1 [sflag:s26], $0x80  }
0x4f: {  	[sflag:s26] =	ssyncset.done @!p1 $0x0  }
0x50: {  	s22 =	simm.s32 @!p1 $0x1;
	s25 =	simm.s32 @!p1 $0x100;
	[sflag:s26] =	ssyncadd.s32 @!p1 $0xFFFFFF80  }
0x51: {  	[tilespmem:s25], [sflag:$0x1] =	stream.indirect.gather @!p1 [hbm4b:s1+s23], $0x80, s24, s23, $0xb8;
	[tilespmem:$0x1E180] =	vst v63  }
.Ltmp1:
0x52: {  	_ =	swait.ge @!p1 [sflag:s22], $0x4000;
	(pc) =	sbr.rel @p2 .LBB2_4-.Ltmp1, $4  }
0x53: {  	[sflag:s22] =	ssyncset.done @!p1 $0x0  }
0x54: {  	s20 =	sadd.s32 $0x20, s20;
	[sflag:s22] =	ssyncadd.s32 @!p1 $0xFFFFC000;
	s22 =	simm.s32 @!p1 $0x2  }
0x55: {  	[spmem:s2] =	stream.indirect.scatter.add.f32 @!p1 [tilespmem:s25], [sflag:$0x2], $0x80, s23, s23, $0xb8;
	[tilespmem:$0x1E180] =	vst v63  }
0x56: {  	p3 =	sgt.u32 s20, $0x9C3;
	_ =	swait.ge @!p1 [sflag:s22], $0x4000  }
0x57: {  	s20 =	sadd.s32 @!p3 s19, s16;
	[sflag:s22] =	ssyncset.done @!p1 $0x0  }
0x58: {  	s21 =	simm.s32 @!p3 $0x0;
	s23 =	simm.s32 @!p3 $0x3;
	[sflag:s22] =	ssyncadd.s32 @!p1 $0xFFFFC000  }
0x59: {  	[tilespmem:s21], [sflag:$0x3] =	stream.linear.gather @!p3 [hbm4b:s20+s21], $0x80, $0x38;
	[tilespmem:$0x1E180] =	vst v63  }
0x5a: {  	p1 =	por p3, p3;
	_ =	swait.ge @!p3 [sflag:s23], $0x80  }
0x5b: {  	[sflag:s23] =	ssyncset.done @!p1 $0x0  }
0x5c: {  	s19 =	sadd.s32 @!p1 s19, s15;
	s20 =	simm.s32 @!p1 $0x80;
	[sflag:s23] =	ssyncadd.s32 @!p1 $0xFFFFFF80  }
0x5d: {  	[tilespmem:s20], [sflag:$0x3] =	stream.linear.gather @!p1 [hbm4b:s19+s21], $0x80, $0x38;
	[tilespmem:$0x1E180] =	vst v63  }
0x5e: {  	_ =	swait.ge @!p1 [sflag:s23], $0x80  }
0x5f: {  	[sflag:s23] =	ssyncset.done @!p1 $0x0  }
0x60: {  	s22 =	simm.s32 @!p1 $0x1;
	s19 =	simm.s32 @!p1 $0x100;
	[sflag:s23] =	ssyncadd.s32 @!p1 $0xFFFFFF80  }
0x61: {  	[tilespmem:s19], [sflag:$0x1] =	stream.indirect.gather @!p1 [hbm4b:s1+s20], $0x80, s21, s20, $0xb8;
	[tilespmem:$0x1E180] =	vst v63  }
0x62: {  	_ =	swait.ge @!p1 [sflag:s22], $0x4000  }
0x63: {  	[sflag:s22] =	ssyncset.done @!p1 $0x0  }
0x64: {  	s21 =	simm.s32 @!p1 $0x2;
	[sflag:s22] =	ssyncadd.s32 @!p1 $0xFFFFC000  }
0x65: {  	[spmem:s2] =	stream.indirect.scatter.add.f32 @!p1 [tilespmem:s19], [sflag:$0x2], $0x80, s20, s20, $0xb8;
	[tilespmem:$0x1E180] =	vst v63  }
0x66: {  	_ =	swait.ge @!p1 [sflag:s21], $0x4000  }
0x67: {  	[sflag:s21] =	ssyncset.done @!p1 $0x0  }
0x68: {  	s28 =	sshll.u32 s3, $0x6;
	[sflag:s21] =	ssyncadd.s32 @!p1 $0xFFFFC000  }
0x69: {  	s29 =	sshrl.u32 s9, $0x3;
	s19 =	sor.u32 $0x1C02, s28;
	[bflag:$0x0] =	sbarrier.arrive $0xFFFF  }
0x6a: {  	[hbm:s12], [sflag:s19] =	dma.local [spmem:s29], $0xD00  }
0x6b: {  	_ =	swait.ge [sflag:s18], $0xD00  }
0x6c: {  	[sflag:s18] =	ssyncset.done $0x0  }
0x6d: {  	s30 =	sshrl.u32 s10, $0x3;
	[sflag:s18] =	ssyncadd.s32 $0xFFFFF300  }
0x6e: {  	[hbm:s13], [sflag:s19] =	dma.local [spmem:s30], $0xD00  }
0x6f: {  	_ =	swait.ge [sflag:s18], $0xD00  }
0x70: {  	[sflag:s18] =	ssyncset.done $0x0  }
0x71: {  	s31 =	sshrl.u32 s11, $0x3;
	[sflag:s18] =	ssyncadd.s32 $0xFFFFF300  }
0x72: {  	[hbm:s14], [sflag:s19] =	dma.local [spmem:s31], $0xD00  }
0x73: {  	_ =	swait.ge [sflag:s18], $0xD00  }
0x74: {  	s4 =	sadd.s32 $0x1, s4;
	s20 =	simm.s32 @!p0 $0x1FC2;
	[sflag:s18] =	ssyncset.done $0x0  }
0x75: {  	p1 =	sne.s32 s4, s8;
	s19 =	sshrl.u32 @!p0 s6, $0x3;
	[sflag:s18] =	ssyncadd.s32 $0xFFFFF300  }
0x76: {  	[hbm:s7], [sflag:s20] =	dma.local @!p0 [spmem:s19], $0x100  }
.Ltmp2:
0x77: {  	_ = 	snop;
	(pc) =	sbr.rel @p1 .LBB2_1-.Ltmp2, $4  }
0x78: {  	s19 =	simm.s32 @!p0 $0x2  }
0x79: {  	_ =	swait.ge @!p0 [sflag:s19], $0x100  }
0x7a: {  	[sflag:s19] =	ssyncset.done @!p0 $0x0  }
0x7b: {  	[sflag:s19] =	ssyncadd.s32 @!p0 $0xFFFFFF00  }
0x7c: {  	_ =	sfence.sel $0x180000  }
0x7d: {  	[bflag:$0x0] =	sbarrier.arrive $0xFFFF  }
0x7e: {  	p0 =	sne.s32 s3, $0x0;
	_ =	strace $0x9000004D  }
0x7f: {  	s0 =	sadd.s32 @!p0 $0x100000, s0;
	[bflag:$0x2] =	sbarrier.arrive $0xFFFF  }
0x80: {  	[sflag:s0] =	ssyncadd.tile.s32 @!p0 $0x1;
	_ =	shalt  }
.Lfunc_end2:
_tile_overlayer_lowered:
.L_overlay_start_2:
0x81: {  	(tag) =	ssettag $0x2  }
0x82: {  	s0 =	rddreg [dreg:$0x0];
	s2 =	stileid.u32  }
0x83: {  	s1 =	rddreg [dreg:$0x1];
	p0 =	sne.s32 s2, $0x0  }
0x84: {  	s3 =	rddreg [dreg:$0x2];
	[bflag:$0x3] =	sbarrier.arrive $0xFFFF;
	s2 =	simm.s32 @!p0 $0x1C02  }
0x85: {  	[timem:s3], [sflag:s2] =	dma.local @!p0 [hbm:s0], s1  }
0x86: {  	s0 =	simm.s32 @!p0 $0x2  }
0x87: {  	_ =	swait.ge @!p0 [sflag:s0], s1  }
0x88: {  	s1 =	ssub.s32 @!p0 $0x0, s1;
	[sflag:s0] =	ssyncset.done @!p0 $0x0  }
0x89: {  	[sflag:s0] =	ssyncadd.s32 @!p0 s1  }
0x8a: {  	[bflag:$0x3] =	sbarrier.arrive $0xFFFF  }
0x8b: {  	_ =	shalt  }

// kernel: kernel.8.cloned.1.call-start
scs
__scs_entry_jumppad:
0x0: {  	(pc) =	sbr.rel $0x88, $3  }
0x1: {  	(tag) =	ssettag $0x0;
	lr =	simm.s32 $0x1  }
0x2: {  	[smem:$0x3F97] =	sst lr;
	_ =	strace $0xD0000000  }
0x3: {  	_ = 	snop  }
0x4: {  	_ = 	snop  }
0x5: {  	_ = 	snop  }
0x6: {  	_ = 	snop  }
0x7: {  	_ = 	snop  }
__scs_overlays_trampoline_lowered:
0x8: {  	[smem:$0x3FA6] =	sst s0  }
0x9: {  	[smem:$0x3FA7] =	sst s1  }
0xa: {  	[smem:$0x3FA8] =	sst s2  }
0xb: {  	[smem:$0x3FA9] =	sst s3  }
0xc: {  	[smem:$0x3FAA] =	sst s4  }
0xd: {  	[smem:$0x3FAB] =	sst s5  }
0xe: {  	[smem:$0x3FAC] =	sst s6  }
0xf: {  	[smem:$0x3FAD] =	sst s7  }
0x10: {  	[smem:$0x3FAE] =	sst s8  }
0x11: {  	[smem:$0x3FAF] =	sst s9;
	s0 =	simm.s32 @!p0 $0x0  }
0x12: {  	s1 =	sld [smem:$0x3F95];
	s0 =	simm.s32 @p0 $0x1  }
0x13: {  	[smem:$0x3FB0] =	sst s0;
	s0 =	simm.s32 @!p1 $0x0  }
0x14: {  	s2 =	sld [smem:$0x3F94];
	s0 =	simm.s32 @p1 $0x1  }
0x15: {  	[smem:$0x3FB1] =	sst s0;
	s0 =	simm.s32 @!p2 $0x0  }
0x16: {  	s3 =	sld [smem:$0x3FDB];
	s0 =	simm.s32 @p2 $0x1  }
0x17: {  	s4 =	simm.s32 $0x1BF5;
	[smem:$0x3FB3] =	sst s0  }
0x18: {  	s0 =	sld [smem:$0x3F96];
	_ =	swait.ge [sflag:s4], $0x0  }
0x19: {  	s7 =	sld [smem:$0x3F97]  }
0x1a: {  	s8 =	sadd.s32 $0xFFFFE003, lr  }
0x1b: {  	s9 =	sadd.s32 $0xFFFFFEF7, lr;
	s5 =	simm.s32 $0xFFFFFFFF;
	p2 =	slt.u32 s8, $0xFFFFF086  }
0x1c: {  	p1 =	slt.u32 s9, $0xF7A;
	s5 =	simm.s32 @!p2 $0x0  }
0x1d: {  	s5 =	simm.s32 @p1 $0x1;
	p0 =	seq.s32 s7, s2  }
0x1e: {  	s7 =	smul.u32 @!p0 $0xF7A, s2;
	p2 =	seq.s32 @!p0 s5, $0x0  }
0x1f: {  	s9 =	smul.u32 $0xF7A, s1;
	s8 =	simm.s32 @!p0 $0x1BF5;
	p2 =	por !p2, p0  }
0x20: {  	[sflag:s8] =	ssyncset.s32 @!p0 $0xFFFFF086;
	s6 =	sadd.s32 @!p0 s3, s7;
	s7 =	simm.s32 @!p0 $0x108  }
0x21: {  	s3 =	sadd.s32 s3, s9;
	s6 =	sadd.s32 @!p0 $0x88, s6;
	s7 =	simm.s32 @p2 $0x1082  }
0x22: {  	[simem:s7], [sflag:s8] =	dma.local @!p0 [hbm:s6], $0xF7A  }
0x23: {  	s9 =	sor.u32 $0xD0000000, s2;
	s6 =	simm.s32 $0x108;
	_ =	swait.ge @!p0 [sflag:s8], $0x0  }
0x24: {  	s3 =	sadd.s32 $0x88, s3;
	s6 =	simm.s32 @!p1 $0x1082;
	[sflag:s4] =	ssyncset.s32 $0xFFFFF086  }
0x25: {  	[simem:s6], [sflag:s4] =	dma.local [hbm:s3], $0xF7A  }
0x26: {  	[smem:$0x3F97] =	sst s1;
	(tag) =	ssettag s2;
	_ =	strace s9  }
0x27: {  	s1 =	sld [smem:$0x3FA7]  }
0x28: {  	s2 =	sld [smem:$0x3FA8]  }
0x29: {  	s4 =	sld [smem:$0x3FAA]  }
0x2a: {  	p0 =	seq.s32 s5, $0x0;
	s5 =	sld [smem:$0x3FAB]  }
0x2b: {  	s6 =	sld [smem:$0x3FAC]  }
0x2c: {  	s7 =	sld [smem:$0x3FAD]  }
0x2d: {  	s3 =	simm.s32 $0x108;
	s8 =	sld [smem:$0x3FAE]  }
0x2e: {  	s3 =	simm.s32 @!p0 $0x1082;
	s9 =	sld [smem:$0x3FAF]  }
0x2f: {  	lr =	sadd.s32 s0, s3;
	s0 =	sld [smem:$0x3FA6]  }
0x30: {  	s3 =	sld [smem:$0x3FA9]  }
0x31: {  	[smem:$0x3FB2] =	sst s10  }
0x32: {  	s10 =	sld [smem:$0x3FB0];
	_ =	sdelay $0x3  }
0x33: {  	p0 =	seq.s32 s10, $0x1;
	s10 =	sld [smem:$0x3FB2];
	_ =	sdelay $0x3  }
0x34: {  	[smem:$0x3FB2] =	sst s10  }
0x35: {  	s10 =	sld [smem:$0x3FB1];
	_ =	sdelay $0x3  }
0x36: {  	p1 =	seq.s32 s10, $0x1;
	s10 =	sld [smem:$0x3FB2];
	_ =	sdelay $0x3  }
0x37: {  	[smem:$0x3FB2] =	sst s10  }
0x38: {  	s10 =	sld [smem:$0x3FB3]  }
0x39: {  	_ = 	snop;
	(pc) =	sbr.ind lr, $3  }
0x3a: {  	_ = 	snop  }
0x3b: {  	_ = 	snop  }
0x3c: {  	p2 =	seq.s32 s10, $0x1;
	s10 =	sld [smem:$0x3FB2]  }
0x3d: {  	_ =	shalt  }
0x3e: {  	_ =	shalt  }
0x3f: {  	_ =	shalt  }
0x40: {  	_ =	shalt  }
0x41: {  	_ =	shalt  }
0x42: {  	_ =	shalt  }
0x43: {  	_ =	shalt  }
0x44: {  	_ =	shalt  }
0x45: {  	_ =	shalt  }
0x46: {  	_ =	shalt  }
0x47: {  	_ =	shalt  }
0x48: {  	_ =	shalt  }
0x49: {  	_ =	shalt  }
0x4a: {  	_ =	shalt  }
0x4b: {  	_ =	shalt  }
0x4c: {  	_ =	shalt  }
0x4d: {  	_ =	shalt  }
0x4e: {  	_ =	shalt  }
0x4f: {  	_ =	shalt  }
0x50: {  	_ =	shalt  }
0x51: {  	_ =	shalt  }
0x52: {  	_ =	shalt  }
0x53: {  	_ =	shalt  }
0x54: {  	_ =	shalt  }
0x55: {  	_ =	shalt  }
0x56: {  	_ =	shalt  }
0x57: {  	_ =	shalt  }
0x58: {  	_ =	shalt  }
0x59: {  	_ =	shalt  }
0x5a: {  	_ =	shalt  }
0x5b: {  	_ =	shalt  }
0x5c: {  	_ =	shalt  }
0x5d: {  	_ =	shalt  }
0x5e: {  	_ =	shalt  }
0x5f: {  	_ =	shalt  }
0x60: {  	_ =	shalt  }
0x61: {  	_ =	shalt  }
0x62: {  	_ =	shalt  }
0x63: {  	_ =	shalt  }
0x64: {  	_ =	shalt  }
0x65: {  	_ =	shalt  }
0x66: {  	_ =	shalt  }
0x67: {  	_ =	shalt  }
0x68: {  	_ =	shalt  }
0x69: {  	_ =	shalt  }
0x6a: {  	_ =	shalt  }
0x6b: {  	_ =	shalt  }
0x6c: {  	_ =	shalt  }
0x6d: {  	_ =	shalt  }
0x6e: {  	_ =	shalt  }
0x6f: {  	_ =	shalt  }
0x70: {  	_ =	shalt  }
0x71: {  	_ =	shalt  }
0x72: {  	_ =	shalt  }
0x73: {  	_ =	shalt  }
0x74: {  	_ =	shalt  }
0x75: {  	_ =	shalt  }
0x76: {  	_ =	shalt  }
0x77: {  	_ =	shalt  }
0x78: {  	_ =	shalt  }
0x79: {  	_ =	shalt  }
0x7a: {  	_ =	shalt  }
0x7b: {  	_ =	shalt  }
0x7c: {  	_ =	shalt  }
0x7d: {  	_ =	shalt  }
0x7e: {  	_ =	shalt  }
0x7f: {  	_ =	shalt  }
0x80: {  	_ =	shalt  }
0x81: {  	_ =	shalt  }
0x82: {  	_ =	shalt  }
0x83: {  	_ =	shalt  }
0x84: {  	_ =	shalt  }
0x85: {  	_ =	shalt  }
0x86: {  	_ =	shalt  }
0x87: {  	_ =	shalt  }
.Lfunc_end0:
.L_simem_size_0:
called_computation_lowered:
.L_overlay_start_0:
0x88: {  	s2 =	sld [smem:$0x3FD9]  }
0x89: {  	s3 =	sld [smem:$0x3FFE];
	_ =	sdelay $0x1  }
0x8a: {  	s1 =	srdreg.scid  }
0x8b: {  	s0 =	sand.u32 $0x1, s1  }
0x8c: {  	s14 =	sshll.u32 s0, $0xA;
	s2 =	sadd.s32 s3, s2  }
0x8d: {  	s2 =	sadd.s32 s2, s14  }
0x8e: {  	[smem:$0x3FBE] =	sst s2  }
0x8f: {  	_ = 	snop  }
0x90: {  	s2 =	sld [smem:$0x3FD0];
	_ =	sdelay $0x2  }
0x91: {  	s15 =	simm.s32 $0xA;
	s4 =	simm.s32 $0x10  }
0x92: {  	[smem:s4], [sflag:s15] =	dma.local [hbm:s2], $0x1  }
0x93: {  	_ =	swait.eq [sflag:s15], $0x1  }
0x94: {  	[sflag:s15] =	ssyncset.done $0x0  }
0x95: {  	[sflag:s15] =	ssyncadd.s32 $0xFFFFFFFF  }
0x96: {  	s16 =	sld [smem:$0x10];
	(tm) =	ssettm $0x1  }
0x97: {  	s17 =	sld [smem:$0x3FFB];
	_ =	sdelay $0x3  }
0x98: {  	_ =	strace s17  }
0x99: {  	s3 =	sld [smem:$0x3FFC];
	_ =	sdelay $0x3  }
0x9a: {  	_ =	strace s3  }
0x9b: {  	s3 =	sld [smem:$0x3FFD];
	_ =	sdelay $0x3  }
0x9c: {  	_ =	strace s3  }
0x9d: {  	_ =	strace $0x8FFFFFFF  }
0x9e: {  	s18 =	sld [smem:$0x3FDB];
	_ =	sdelay $0x1  }
0x9f: {  	s19 =	simm.s32 $_scs_section_size  }
0xa0: {  	s5 =	simm.s32 $_size__tile_overlayer_lowered;
	s6 =	simm.s32 $_tile_overlayer_lowered  }
0xa1: {  	s22 =	simm.s32 $0x1BFF;
	s21 =	sshll.u32 s6, $0x1;
	s3 =	sadd.s32 s19, s18  }
0xa2: {  	s7 =	simm.s32 $0x0;
	s20 =	sshll.u32 s5, $0x1;
	s5 =	sadd.s32 s21, s3  }
0xa3: {  	[timem:s7], [sflag:s22] =	dma.local [hbm:s5], s20  }
0xa4: {  	_ =	swait.ge [sflag:s22], s20  }
0xa5: {  	s4 =	ssub.s32 $0x0, s20;
	[sflag:s22] =	ssyncset.done $0x0  }
0xa6: {  	[sflag:s22] =	ssyncadd.s32 s4;
	_ =	sdelay $0x1  }
0xa7: {  	s23 =	simm.s32 $0x1B8B  }
0xa8: {  	_ =	swait.ge [sflag:s23], $0x1  }
0xa9: {  	[sflag:s23] =	ssyncset.done $0x0  }
0xaa: {  	s25 =	simm.s32 $0x1B8E;
	s24 =	sld [smem:$0x3FFE];
	[sflag:s23] =	ssyncadd.s32 $0xFFFFFFFF  }
0xab: {  	s26 =	simm.s32 $execute0_lowered;
	[smem:$0x3FD2] =	sst s25  }
0xac: {  	s5 =	sshll.u32 s26, $0x1;
	_ =	strace $0x80000046;
	[dreg:$0x1] =	wrdreg $0xFFFFFFFF  }
0xad: {  	s28 =	simm.s32 $_size_execute0_lowered;
	s3 =	sadd.s32 s3, s5;
	[dreg:$0x0] =	wrdreg $0x0  }
0xae: {  	s5 =	sshll.u32 s28, $0x1;
	[dreg:$0x2] =	wrdreg s3  }
0xaf: {  	[dreg:$0x3] =	wrdreg s5  }
0xb0: {  	[dreg:$0x4] =	wrdreg $0xC0  }
0xb1: {  	_ =	task [dreg:s7], $0x5FFFF  }
0xb2: {  	[dreg:$0x1] =	wrdreg $0xFFFFFFFF  }
0xb3: {  	[dreg:$0x0] =	wrdreg $0x60  }
0xb4: {  	[dreg:$0x2] =	wrdreg s16  }
0xb5: {  	[dreg:$0x3] =	wrdreg s24  }
0xb6: {  	[dreg:$0x4] =	wrdreg $0xA8800  }
0xb7: {  	[dreg:$0x5] =	wrdreg $0x9  }
0xb8: {  	_ =	task.clear_ibuf [dreg:s7], $0x6FFFF;
	_ =	strace $0x90000046  }
0xb9: {  	s29 =	simm.s32 $0x9;
	_ =	strace $0x80000048  }
0xba: {  	_ =	swait.ge [sflag:s29], $0x1  }
0xbb: {  	[sflag:s29] =	ssyncadd.s32 $0xFFFFFFFF  }
0xbc: {  	_ =	strace $0x90000048  }
0xbd: {  	_ =	sfence  }
0xbe: {  	s30 =	sld [smem:$0x0];
	_ =	sdelay $0x2  }
0xbf: {  	s31 =	sshll.u32 s1, $0xD;
	s1 =	sshrl.u32 s1, $0x2  }
0xc0: {  	s3 =	sand.u32 $0x4000, s31;
	s1 =	sadd.s32 s1, s30  }
0xc1: {  	s0 =	sor.u32 s3, s0;
	s1 =	sshll.u32 s1, $0x11  }
0xc2: {  	s0 =	sor.u32 s1, s0  }
0xc3: {  	s0 =	sadd.s32 $0x8F2B, s0  }
0xc4: {  	[sflag:s0] =	ssyncadd.remote.s32 $0x1  }
0xc5: {  	_ =	sfence.sel $0xFFFF  }
0xc6: {  	[dreg:$0x0] =	wrdreg $0xFFFFFFFF;
	(pc) =	sbr.abs _section_cstart, $3  }
0xc7: {  	[dreg:$0x1] =	wrdreg $0xFFFFFFFF  }
0xc8: {  	_ =	task.clear_ibuf [dreg:s7], $0x2FFFF;
	_ =	strace $0x9FFFFFFF  }
0xc9: {  	(tm) =	ssettm $0x7FFFFFFF  }
tec
execute0_lowered:
.L_overlay_start_1:
0x0: {  	(tag) =	ssettag $0x1  }
0x1: {  	s12 =	rddreg [dreg:$0x0]  }
0x2: {  	s3 =	rddreg [dreg:$0x1]  }
0x3: {  	s1 =	rddreg [dreg:$0x2];
	s4 =	srdreg.scid  }
0x4: {  	s0 =	rddreg [dreg:$0x3];
	s2 =	simm.s32 $0x0;
	s13 =	sand.u32 $0x1, s4  }
0x5: {  	s15 =	sadd.s32 $0xC400, s3;
	s3 =	stileid.u32;
	s14 =	smul.u32 $0x138800, s13  }
0x6: {  	[smem:$0x7FF] =	sst s2;
	s8 =	smul.u32 $0x4E000, s3  }
0x7: {  	s4 =	ssub.s32 $0x2, s13;
	_ =	strace $0x80000047;
	s10 =	smul.u32 $0x13800, s3  }
0x8: {  	s31 =	sshll.u32 s3, $0x5;
	s18 =	sshll.u32 s13, $0x4;
	s5 =	sshrl.u32 s4, $0x1  }
0x9: {  	p0 =	sne.s32 s3, $0xF;
	s7 =	ssub.s32 s4, s5;
	s4 =	sshll.u32 s3, $0x1  }
0xa: {  	s6 =	sshrl.u32 s14, $0x3;
	s5 =	sadd.s32 $0x138000, s1;
	s8 =	sshrl.u32 s8, $0x2  }
0xb: {  	s16 =	sadd.s32 $0x6800, s10;
	s11 =	sadd.s32 s14, s10;
	s17 =	sadd.s32 $0xD000, s10  }
0xc: {  	s6 =	sadd.s32 s15, s6;
	s7 =	smax.u32 s7, $0x1;
	s8 =	sadd.s32 s8, s1  }
0xd: {  	s9 =	sadd.s32 s16, s1;
	s11 =	sshrl.u32 s11, $0x3;
	s10 =	sadd.s32 s17, s1  }
0xe: {  	s16 =	sadd.s32 s14, s16;
	s14 =	sadd.s32 s14, s17;
	s17 =	sadd.s32 s31, s12  }
0xf: {  	s6 =	sadd.s32 $0x27000, s6;
	s16 =	sshrl.u32 s16, $0x3;
	s14 =	sshrl.u32 s14, $0x3  }
0x10: {  	s11 =	sadd.s32 s15, s11;
	s12 =	sadd.s32 s15, s16;
	s13 =	sadd.s32 s15, s14  }
0x11: {  	v0 =	vimm.f32 $1.000000000e+00;
	v1 =	vimm.f32 $0.0e+00;
	s14 =	sadd.s32 s18, s17;
	s15 =	simm.s32 $0x4080;
	s16 =	simm.s32 $0x1  }
.LBB2_1:
0x12: {  	s17 =	simm.s32 $0x0  }
.LBB2_2:
0x13: {  	p1 =	sne.s32 s17, $0xFE00  }
.Ltmp0:
0x14: {  	_ = 	snop;
	(pc) =	sbr.rel @p1 .LBB2_2-.Ltmp0, $3  }
0x15: {  	_ =	sdelay $0x1  }
0x16: {  	s18 =	sshra.s32 s17, $0x2  }
0x17: {  	s17 =	sadd.s32 $0x200, s17;
	[tilespmem:s18+$0x80] =	vst v0  }
0x18: {  	s17 =	simm.s32 $0x200;
	s18 =	simm.s32 $0x0  }
.LBB2_4:
0x19: {  	p1 =	sne.s32 s17, $0x19E00;
	[tilespmem:s18+$0x4080] =	vst v1;
	s18 =	smov.u32 s17;
	s17 =	sadd.s32 $0x200, s17  }
.Ltmp1:
0x1a: {  	(pc) =	sbr.rel @p1 .LBB2_4-.Ltmp1, $2  }
0x1b: {  	_ =	sdelay $0x2  }
0x1c: {  	s18 =	sshra.s32 s18, $0x2  }
0x1d: {  	[tilespmem:s18+$0x4080] =	vst v1  }
0x1e: {  	[spmem:s8] =	stream.linear.scatter [tilespmem:s15], [sflag:$0x1], $0x6800, $0x38;
	[tilespmem:$0xCF90] =	vst v63  }
0x1f: {  	_ =	swait.ge [sflag:s16], $0x6800  }
0x20: {  	[sflag:s16] =	ssyncset.done $0x0  }
0x21: {  	[sflag:s16] =	ssyncadd.s32 $0xFFFF9800  }
0x22: {  	[spmem:s9] =	stream.linear.scatter [tilespmem:s15], [sflag:$0x1], $0x6800, $0x38;
	[tilespmem:$0xCF90] =	vst v63  }
0x23: {  	_ =	swait.ge [sflag:s16], $0x6800  }
0x24: {  	[sflag:s16] =	ssyncset.done $0x0  }
0x25: {  	[sflag:s16] =	ssyncadd.s32 $0xFFFF9800  }
0x26: {  	[spmem:s10] =	stream.linear.scatter [tilespmem:s15], [sflag:$0x1], $0x6800, $0x38;
	[tilespmem:$0xCF90] =	vst v63  }
0x27: {  	_ =	swait.ge [sflag:s16], $0x6800  }
0x28: {  	[sflag:s16] =	ssyncset.done $0x0  }
0x29: {  	s17 =	simm.s32 @!p0 $0x4080;
	[sflag:s16] =	ssyncadd.s32 $0xFFFF9800  }
0x2a: {  	[spmem:s5] =	stream.linear.scatter @!p0 [tilespmem:s17], [sflag:$0x1], $0x800, $0x38;
	[tilespmem:$0xCF90] =	vst v63  }
0x2b: {  	s17 =	simm.s32 @!p0 $0x1  }
0x2c: {  	_ =	swait.ge @!p0 [sflag:s17], $0x800  }
0x2d: {  	s30 =	sadd.s32 $0x0, s4;
	[sflag:s17] =	ssyncset.done @!p0 $0x0  }
0x2e: {  	p1 =	sgt.u32 s30, $0x9C3;
	[sflag:s17] =	ssyncadd.s32 @!p0 $0xFFFFF800  }
0x2f: {  	s18 =	simm.s32 @!p1 $0x0;
	s19 =	simm.s32 @!p1 $0x2;
	[bflag:$0x0] =	sbarrier.arrive $0xFFFF  }
0x30: {  	[tilespmem:s18], [sflag:$0x2] =	stream.linear.gather @!p1 [hbm4b:s14+s18], $0x80, $0x38;
	[tilespmem:$0xCF90] =	vst v63  }
0x31: {  	_ =	swait.ge @!p1 [sflag:s19], $0x80  }
0x32: {  	s31 =	sadd.s32 $0x20, s4;
	[sflag:s19] =	ssyncset.done @!p1 $0x0  }
0x33: {  	s20 =	simm.s32 @!p1 $0x80;
	[sflag:s19] =	ssyncadd.s32 @!p1 $0xFFFFFF80;
	s19 =	simm.s32 @!p1 $0x1  }
0x34: {  	[spmem:s1] =	stream.indirect.scatter.add.f32 @!p1 [tilespmem:s20], [sflag:$0x1], $0x10, s18, s20, $0xb8;
	[tilespmem:$0xCF90] =	vst v63  }
0x35: {  	p2 =	por p1, p1;
	s17 =	simm.s32 $0x40;
	_ =	swait.ge @!p1 [sflag:s19], $0x800  }
0x36: {  	s18 =	sadd.s32 $0x200, s14;
	p1 =	sgt.u32 s31, $0x9C3;
	[sflag:s19] =	ssyncset.done @!p2 $0x0  }
.LBB2_6:
0x37: {  	s20 =	simm.s32 @!p1 $0x0;
	s21 =	simm.s32 @!p1 $0x2  }
0x38: {  	[sflag:s19] =	ssyncadd.s32 @!p2 $0xFFFFF800;
	s22 =	smov.u32 s17;
	s17 =	sadd.s32 $0x20, s17  }
0x39: {  	[tilespmem:s20], [sflag:$0x2] =	stream.linear.gather @!p1 [hbm4b:s18+s20], $0x80, $0x38;
	[tilespmem:$0xCF90] =	vst v63  }
0x3a: {  	p3 =	sne.s32 s17, $0x9E0;
	_ =	swait.ge @!p1 [sflag:s21], $0x80  }
.Ltmp2:
0x3b: {  	[sflag:s21] =	ssyncset.done @!p1 $0x0;
	(pc) =	sbr.rel @p3 .LBB2_6-.Ltmp2, $4  }
0x3c: {  	s19 =	simm.s32 @!p1 $0x1;
	[sflag:s21] =	ssyncadd.s32 @!p1 $0xFFFFFF80;
	s21 =	simm.s32 @!p1 $0x80  }
0x3d: {  	[spmem:s1] =	stream.indirect.scatter.add.f32 @!p1 [tilespmem:s21], [sflag:$0x1], $0x10, s20, s21, $0xb8;
	[tilespmem:$0xCF90] =	vst v63  }
0x3e: {  	p2 =	por p1, p1;
	s20 =	sadd.s32 s22, s4;
	_ =	swait.ge @!p1 [sflag:s19], $0x800  }
0x3f: {  	s18 =	sadd.s32 $0x200, s18;
	p1 =	sgt.u32 s20, $0x9C3;
	[sflag:s19] =	ssyncset.done @!p2 $0x0  }
0x40: {  	s17 =	simm.s32 @!p1 $0x0;
	s20 =	simm.s32 @!p1 $0x2;
	[sflag:s19] =	ssyncadd.s32 @!p2 $0xFFFFF800  }
0x41: {  	[tilespmem:s17], [sflag:$0x2] =	stream.linear.gather @!p1 [hbm4b:s18+s17], $0x80, $0x38;
	[tilespmem:$0xCF90] =	vst v63  }
0x42: {  	_ =	swait.ge @!p1 [sflag:s20], $0x80  }
0x43: {  	[sflag:s20] =	ssyncset.done @!p1 $0x0  }
0x44: {  	s19 =	simm.s32 @!p1 $0x1;
	s18 =	simm.s32 @!p1 $0x80;
	[sflag:s20] =	ssyncadd.s32 @!p1 $0xFFFFFF80  }
0x45: {  	[spmem:s1] =	stream.indirect.scatter.add.f32 @!p1 [tilespmem:s18], [sflag:$0x1], $0x10, s17, s18, $0xb8;
	[tilespmem:$0xCF90] =	vst v63  }
0x46: {  	_ =	swait.ge @!p1 [sflag:s19], $0x800;
	p1 =	por p1, p1  }
0x47: {  	[sflag:s19] =	ssyncset.done @!p1 $0x0  }
0x48: {  	s28 =	sshll.u32 s3, $0x6;
	[sflag:s19] =	ssyncadd.s32 @!p1 $0xFFFFF800  }
0x49: {  	s29 =	sshrl.u32 s8, $0x3;
	s17 =	sor.u32 $0x1C01, s28;
	[bflag:$0x0] =	sbarrier.arrive $0xFFFF  }
0x4a: {  	[hbm:s11], [sflag:s17] =	dma.local [spmem:s29], $0xD00  }
0x4b: {  	_ =	swait.ge [sflag:s16], $0xD00  }
0x4c: {  	[sflag:s16] =	ssyncset.done $0x0  }
0x4d: {  	s30 =	sshrl.u32 s9, $0x3;
	[sflag:s16] =	ssyncadd.s32 $0xFFFFF300  }
0x4e: {  	[hbm:s12], [sflag:s17] =	dma.local [spmem:s30], $0xD00  }
0x4f: {  	_ =	swait.ge [sflag:s16], $0xD00  }
0x50: {  	[sflag:s16] =	ssyncset.done $0x0  }
0x51: {  	s31 =	sshrl.u32 s10, $0x3;
	[sflag:s16] =	ssyncadd.s32 $0xFFFFF300  }
0x52: {  	[hbm:s13], [sflag:s17] =	dma.local [spmem:s31], $0xD00  }
0x53: {  	_ =	swait.ge [sflag:s16], $0xD00  }
0x54: {  	s2 =	sadd.s32 $0x1, s2;
	s18 =	simm.s32 @!p0 $0x1FC1;
	[sflag:s16] =	ssyncset.done $0x0  }
0x55: {  	p1 =	sne.s32 s2, s7;
	s17 =	sshrl.u32 @!p0 s5, $0x3;
	[sflag:s16] =	ssyncadd.s32 $0xFFFFF300  }
0x56: {  	[hbm:s6], [sflag:s18] =	dma.local @!p0 [spmem:s17], $0x100  }
.Ltmp3:
0x57: {  	_ = 	snop;
	(pc) =	sbr.rel @p1 .LBB2_1-.Ltmp3, $4  }
0x58: {  	s17 =	simm.s32 @!p0 $0x1  }
0x59: {  	_ =	swait.ge @!p0 [sflag:s17], $0x100  }
0x5a: {  	[sflag:s17] =	ssyncset.done @!p0 $0x0  }
0x5b: {  	[sflag:s17] =	ssyncadd.s32 @!p0 $0xFFFFFF00  }
0x5c: {  	_ =	sfence.sel $0x180000  }
0x5d: {  	[bflag:$0x0] =	sbarrier.arrive $0xFFFF  }
0x5e: {  	p0 =	sne.s32 s3, $0x0;
	_ =	strace $0x90000047  }
0x5f: {  	s0 =	sadd.s32 @!p0 $0x100000, s0;
	[bflag:$0x2] =	sbarrier.arrive $0xFFFF  }
0x60: {  	[sflag:s0] =	ssyncadd.tile.s32 @!p0 $0x1;
	_ =	shalt  }
.Lfunc_end2:
_tile_overlayer_lowered:
.L_overlay_start_2:
0x61: {  	(tag) =	ssettag $0x2  }
0x62: {  	s0 =	rddreg [dreg:$0x0];
	s2 =	stileid.u32  }
0x63: {  	s1 =	rddreg [dreg:$0x1];
	p0 =	sne.s32 s2, $0x0  }
0x64: {  	s3 =	rddreg [dreg:$0x2];
	[bflag:$0x3] =	sbarrier.arrive $0xFFFF;
	s2 =	simm.s32 @!p0 $0x1C01  }
0x65: {  	[timem:s3], [sflag:s2] =	dma.local @!p0 [hbm:s0], s1  }
0x66: {  	s0 =	simm.s32 @!p0 $0x1  }
0x67: {  	_ =	swait.ge @!p0 [sflag:s0], s1  }
0x68: {  	s1 =	ssub.s32 @!p0 $0x0, s1;
	[sflag:s0] =	ssyncset.done @!p0 $0x0  }
0x69: {  	[sflag:s0] =	ssyncadd.s32 @!p0 s1  }
0x6a: {  	[bflag:$0x3] =	sbarrier.arrive $0xFFFF  }
0x6b: {  	_ =	shalt  }

</sc_bundles>
